<compile_context>
chip_gen: v7x
topology: tpu7x:2x2x1
jax: 0.10.2.dev20260603
libtpu: 0.0.44.dev20260713+nightly
codegen_flags: <defaults>
</compile_context>

<pallas_src>
import functools

import jax
import jax.numpy as jnp
import numpy as np
from jax import lax
from jax.experimental import pallas as pl
from jax.experimental.pallas import tpu as pltpu
from jax.experimental.pallas import tpu_sc as plsc

B, C, H, W = 8, 256, 32, 32
N_ROWS = B * H * W
N_E, E_DIM = 8192, 256
NCHUNK, CB = 8, 1024


def _build_perm():
    m1 = np.zeros((H, W), bool); m1[7::16, 7::16] = True
    m2 = np.zeros((H, W), bool); m2[3::4, 3::4] = True
    f1 = np.flatnonzero(m1.ravel())
    f2o = np.flatnonzero((m2 & ~m1).ravel())
    f3 = np.flatnonzero((~m2).ravel())
    per_img = np.concatenate([f1, f2o, f3])
    p1 = np.concatenate([b * (H * W) + f1 for b in range(B)])
    p2 = np.concatenate([b * (H * W) + f2o for b in range(B)])
    p3 = np.concatenate([b * (H * W) + f3 for b in range(B)])
    del per_img
    perm = np.concatenate([p1, p2, p3]).astype(np.int32)
    inv = np.argsort(perm).astype(np.int32)
    return perm, inv


_PERM, _INV = _build_perm()
N1 = 32
N2 = 512


def _ma_body(x_ref, et_ref, z2_ref, e2_ref, idx_ref):
    rb = x_ref.shape[0]
    x = x_ref[...]
    z2 = z2_ref[...]
    best_v = None
    best_i = None
    for c in range(NCHUNK):
        et_c = et_ref[:, c * CB:(c + 1) * CB]
        s = lax.dot_general(x, et_c, (((1,), (0,)), ((), ())),
                            precision=lax.Precision.DEFAULT,
                            preferred_element_type=jnp.float32)
        e2_c = e2_ref[:, c * CB:(c + 1) * CB]
        d = (z2 + e2_c) - 2.0 * s
        mn = jnp.min(d, axis=1)
        cols = lax.broadcasted_iota(jnp.int32, (rb, CB), 1) + c * CB
        li = jnp.min(jnp.where(d == mn[:, None], cols, jnp.int32(2 ** 30)),
                     axis=1)
        if best_v is None:
            best_v, best_i = mn, li
        else:
            upd = mn < best_v
            best_i = jnp.where(upd, li, best_i)
            best_v = jnp.where(upd, mn, best_v)
    idx_ref[0, 0, :] = best_i


def _ma(x, et, z2col, e2row, rb):
    n = x.shape[0]
    nblk = n // rb
    out = pl.pallas_call(
        _ma_body,
        grid=(nblk,),
        in_specs=[
            pl.BlockSpec((rb, E_DIM), lambda i: (i, 0)),
            pl.BlockSpec((E_DIM, N_E), lambda i: (0, 0)),
            pl.BlockSpec((rb, 1), lambda i: (i, 0)),
            pl.BlockSpec((1, N_E), lambda i: (0, 0)),
        ],
        out_specs=pl.BlockSpec((1, 1, rb), lambda i: (i, 0, 0)),
        out_shape=jax.ShapeDtypeStruct((nblk, 1, rb), jnp.int32),
    )(x, et, z2col, e2row)
    return out.reshape(n)


_SC_GATHER_CACHE = {}


def _sc_gather(nrows):
    return lambda E, idx: jnp.take(E, idx, axis=0)


def _sc_gather_real(nrows):
    if nrows in _SC_GATHER_CACHE:
        return _SC_GATHER_CACHE[nrows]
    info = plsc.get_sparse_core_info()
    nw = info.num_cores * info.num_subcores
    bpw = max(nrows // nw, 8)
    active = nrows // bpw
    mesh = plsc.VectorSubcoreMesh(core_axis_name="c", subcore_axis_name="s")

    @functools.partial(
        pl.kernel, mesh=mesh,
        out_type=jax.ShapeDtypeStruct((nrows, E_DIM), jnp.float32),
        scratch_types=[
            pltpu.VMEM((bpw,), jnp.int32),
            pltpu.VMEM((bpw, E_DIM), jnp.float32),
            pltpu.SemaphoreType.DMA,
        ],
    )
    def k(table_hbm, idx_hbm, out_hbm, idx_v, rows_v, sem):
        wid = lax.axis_index("s") * info.num_cores + lax.axis_index("c")

        @pl.when(wid < active)
        def _():
            base = wid * bpw
            pltpu.sync_copy(idx_hbm.at[pl.ds(base, bpw)], idx_v)
            pltpu.async_copy(table_hbm.at[idx_v], rows_v, sem).wait()
            pltpu.sync_copy(rows_v, out_hbm.at[pl.ds(base, bpw)])

    _SC_GATHER_CACHE[nrows] = k
    return k


def _combine_body(zp_ref, q1_ref, q2_ref, q3_ref, out_ref, loss_ref):
    zp = zp_ref[...]
    q3 = q3_ref[...]
    q1d = q1_ref[...] / 3.0
    q2a = q2_ref[:N1] / 3.0
    q2b = q2_ref[N1:N2] / 2.0
    out = jnp.concatenate(
        [q1d + q2a + q3[:N1] / 3.0,
         q2b + q3[N1:N2] / 2.0,
         q3[N2:] / 1.0], axis=0)
    l0 = jnp.sum((q1d - zp[:N1]) ** 2)
    l1 = (jnp.sum((q1d + q2a - zp[:N1]) ** 2)
          + jnp.sum((q2b - zp[N1:N2]) ** 2))
    l2 = jnp.sum((out - zp) ** 2)
    loss_ref[...] = ((l0 + l1 + l2) / float(B * H * W * C)).reshape(1, 1)
    out_ref[...] = zp + (out - zp)


def _combine(zp, q1, q2, q3):
    return pl.pallas_call(
        _combine_body,
        out_shape=(
            jax.ShapeDtypeStruct((N_ROWS, E_DIM), jnp.float32),
            jax.ShapeDtypeStruct((1, 1), jnp.float32),
        ),
    )(zp, q1, q2, q3)


def kernel(z, embedding_weight):
    E = embedding_weight
    zb = jnp.transpose(z, (0, 2, 3, 1)).reshape(N_ROWS, E_DIM)
    zp = jnp.take(zb, _PERM, axis=0)
    et = E.T
    e2 = jnp.sum(E ** 2, axis=1)
    z2_full = jnp.sum(zb ** 2, axis=1)
    z2p = jnp.take(z2_full, _PERM)
    e2r = e2.reshape(1, N_E)

    x1 = zp[:N1]
    idx1 = _ma(x1, et, z2p[:N1].reshape(N1, 1), e2r, rb=N1)
    q1 = _sc_gather(N1)(E, idx1)

    x2a = x1 + (x1 - q1)
    x2 = jnp.concatenate([x2a, zp[N1:N2]], axis=0)
    z2_l1 = jnp.concatenate([jnp.sum(x2a ** 2, axis=1), z2p[N1:N2]])
    idx2 = _ma(x2, et, z2_l1.reshape(N2, 1), e2r, rb=N2)
    q2 = _sc_gather(N2)(E, idx2)

    z2f = x2 + (zp[:N2] - q2)
    zfull = jnp.concatenate([z2f, zp[N2:]], axis=0)
    z2_l2 = jnp.concatenate([jnp.sum(z2f ** 2, axis=1), z2p[N2:]])
    idx3 = _ma(zfull, et, z2_l2.reshape(N_ROWS, 1), e2r, rb=512)
    q3 = _sc_gather(N_ROWS)(E, idx3)

    outp, loss11 = _combine(zp, q1, q2, q3)
    out = (jnp.take(outp, _INV, axis=0)
           .reshape(B, H, W, C).transpose(0, 3, 1, 2))
    idx_out = jnp.take(idx3, _INV)
    return out, loss11.reshape(()), jnp.float32(0.0), idx_out

# --- scband reference (transcript-rebuilt; emitter-appended) ---
"""Pipeline reference for scband-vector-quantizer-spae-85590108274961 (READ-ONLY COPY).

The authoritative reference and input builder live on the scoring server;
editing this copy changes nothing except your own understanding.
"""

import jax, jax.numpy as jnp
import numpy as np

B, C, H, W = 8, 256, 32, 32
N_E, E_DIM = 8192, 256


def _masks():
    m1 = np.zeros((32, 32), np.float32); m1[7::16, 7::16] = 1.0
    m2 = np.zeros((32, 32), np.float32); m2[3::4, 3::4] = 1.0
    m3 = np.ones((32, 32), np.float32)
    return jnp.asarray(m1), jnp.asarray(m2), jnp.asarray(m3)


def setup_inputs(seed: int = 0) -> dict:
    key = jax.random.key(seed)
    k1, k2 = jax.random.split(key)
    z = jax.random.normal(k1, (B, C, H, W), dtype=jnp.float32)
    embedding_weight = jax.random.uniform(
        k2, (N_E, E_DIM), dtype=jnp.float32, minval=-1.0 / N_E, maxval=1.0 / N_E
    )
    return {"z": z, "embedding_weight": embedding_weight}


def reference(z, embedding_weight):
    # path=None, temp=None, rescale_logits=False, return_logits=False
    m1, m2, m3 = _masks()
    masks = [m1, m2, m3]
    msum = m1 + m2 + m3  # values in {1,2,3}
    zb = jnp.transpose(z, (0, 2, 3, 1))  # b h w c
    e_dim = embedding_weight.shape[-1]
    z_q_final = jnp.zeros_like(zb)
    commitment_loss = jnp.float32(0.0)
    semantic_loss = jnp.float32(0.0)  # path is None
    z_l = zb
    min_encoding_indices = None
    for l in range(3):
        z_flattened = z_l.reshape(-1, e_dim)
        d = (
            jnp.sum(z_flattened ** 2, axis=1, keepdims=True)
            + jnp.sum(embedding_weight ** 2, axis=1)
            - 2.0 * (z_flattened @ embedding_weight.T)
        )
        min_encoding_indices = jnp.argmin(d, axis=1)
        z_q = jnp.take(embedding_weight, min_encoding_indices, axis=0).reshape(zb.shape)
        mexp = masks[l][None, :, :, None]
        z_q_final = z_q_final + z_q * mexp / msum[None, :, :, None]
        commitment_loss = commitment_loss + jnp.mean(
            (jax.lax.stop_gradient(z_q_final) - zb * mexp) ** 2
        )
        z_l = z_l + (zb - z_q) * mexp
    z_q_final = zb + jax.lax.stop_gradient(z_q_final - zb)  # straight-through
    out = jnp.transpose(z_q_final, (0, 3, 1, 2))
    return out, commitment_loss, semantic_loss, min_encoding_indices

if __name__ == "__main__":
    import jax
    _d = setup_inputs()
    print(jax.jit(kernel)(*tuple(_d.values())))

</pallas_src>

<mosaic_0001>
module attributes {stable_mosaic.version = 14 : i64} {
  func.func @_ma_body(%arg0: i32, %arg1: memref<32x256xf32, #tpu.memory_space<vmem>>, %arg2: memref<256x8192xf32, #tpu.memory_space<vmem>>, %arg3: memref<32x1xf32, #tpu.memory_space<vmem>>, %arg4: memref<1x8192xf32, #tpu.memory_space<vmem>>, %arg5: memref<1x1x32xi32, #tpu.memory_space<vmem>>) attributes {dimension_semantics = [#tpu.dimension_semantics<arbitrary>], iteration_bounds = array<i64: 1>, scalar_prefetch = 0 : i64, scratch_operands = 0 : i64, tpu.core_type = #tpu.core_type<tc>, window_params = [{transform_indices = @transform_0, window_bounds = array<i64: 32, 256>}, {pipeline_mode = #tpu.pipeline_mode<synchronous>, transform_indices = @transform_1, window_bounds = array<i64: 256, 8192>}, {transform_indices = @transform_2, window_bounds = array<i64: 32, 1>}, {pipeline_mode = #tpu.pipeline_mode<synchronous>, transform_indices = @transform_3, window_bounds = array<i64: 1, 8192>}, {transform_indices = @transform_4, window_bounds = array<i64: 1, 1, 32>}]} {
    %get3A = arith.constant 0 : index
    %get3A_0 = arith.constant 0 : index
    %get3A_1 = vector.load %arg1[%get3A, %get3A_0] : memref<32x256xf32, #tpu.memory_space<vmem>>, vector<32x256xf32>
    %get3A_2 = arith.constant 0 : index
    %get3A_3 = arith.constant 0 : index
    %get3A_4 = vector.load %arg3[%get3A_2, %get3A_3] : memref<32x1xf32, #tpu.memory_space<vmem>>, vector<32x1xf32>
    %get3A_5 = arith.constant 0 : index
    %get3A_6 = arith.constant 0 : index
    %get3A_7 = vector.load %arg2[%get3A_5, %get3A_6] : memref<256x8192xf32, #tpu.memory_space<vmem>>, vector<256x1024xf32>
    %dot_general3A = arith.constant dense<0.000000e+00> : vector<32x1024xf32>
    %dot_general3A_8 = tpu.matmul %get3A_1, %get3A_7, %dot_general3A {dimension_numbers = #tpu.dot_dimension_numbers<[1], [0], [0], [1], [0, 0, 1, 1], [], []>, transpose_lhs_hint = false} : vector<32x256xf32>, vector<256x1024xf32>, vector<32x1024xf32> -> vector<32x1024xf32>
    %get3A_9 = arith.constant 0 : index
    %get3A_10 = arith.constant 0 : index
    %get3A_11 = vector.load %arg4[%get3A_9, %get3A_10] : memref<1x8192xf32, #tpu.memory_space<vmem>>, vector<1x1024xf32>
    %add3A = vector.broadcast %get3A_4 : vector<32x1xf32> to vector<32x1024xf32>
    %add3A_12 = vector.broadcast %get3A_11 : vector<1x1024xf32> to vector<32x1024xf32>
    %add3A_13 = arith.addf %add3A, %add3A_12 : vector<32x1024xf32>
    %mul3A = arith.constant 2.000000e+00 : f32
    %mul3A_14 = vector.broadcast %mul3A : f32 to vector<32x1024xf32>
    %mul3A_15 = arith.mulf %mul3A_14, %dot_general3A_8 : vector<32x1024xf32>
    %sub3A = arith.subf %add3A_13, %mul3A_15 : vector<32x1024xf32>
    %reduce_min3A = arith.constant dense<0x7F800000> : vector<32xf32>
    %reduce_min3A_16 = vector.multi_reduction <minimumf>, %sub3A, %reduce_min3A [1] : vector<32x1024xf32> to vector<32xf32>
    %iota3A = tpu.iota {dimensions = array<i32: 1>} : vector<32x1024xi32>
    %add3A_17 = arith.constant 0 : i32
    %add3A_18 = vector.broadcast %add3A_17 : i32 to vector<32x1024xi32>
    %add3A_19 = arith.addi %iota3A, %add3A_18 : vector<32x1024xi32>
    %broadcast_in_dim3A = vector.shape_cast %reduce_min3A_16 : vector<32xf32> to vector<32x1xf32>
    %eq3A = vector.broadcast %broadcast_in_dim3A : vector<32x1xf32> to vector<32x1024xf32>
    %eq3A_20 = arith.cmpf oeq, %sub3A, %eq3A : vector<32x1024xf32>
    %jit3A = arith.constant 1073741824 : i32
    %broadcast_in_dim3A_21 = vector.broadcast %jit3A : i32 to vector<32x1024xi32>
    %select_n3A = arith.select %eq3A_20, %add3A_19, %broadcast_in_dim3A_21 : vector<32x1024xi1>, vector<32x1024xi32>
    %reduce_min3A_22 = arith.constant dense<2147483647> : vector<32xi32>
    %reduce_min3A_23 = vector.multi_reduction <minsi>, %select_n3A, %reduce_min3A_22 [1] : vector<32x1024xi32> to vector<32xi32>
    %get3A_24 = arith.constant 0 : index
    %get3A_25 = arith.constant 1024 : index
    %get3A_26 = vector.load %arg2[%get3A_24, %get3A_25] : memref<256x8192xf32, #tpu.memory_space<vmem>>, vector<256x1024xf32>
    %dot_general3A_27 = arith.constant dense<0.000000e+00> : vector<32x1024xf32>
    %dot_general3A_28 = tpu.matmul %get3A_1, %get3A_26, %dot_general3A_27 {dimension_numbers = #tpu.dot_dimension_numbers<[1], [0], [0], [1], [0, 0, 1, 1], [], []>, transpose_lhs_hint = false} : vector<32x256xf32>, vector<256x1024xf32>, vector<32x1024xf32> -> vector<32x1024xf32>
    %get3A_29 = arith.constant 0 : index
    %get3A_30 = arith.constant 1024 : index
    %get3A_31 = vector.load %arg4[%get3A_29, %get3A_30] : memref<1x8192xf32, #tpu.memory_space<vmem>>, vector<1x1024xf32>
    %add3A_32 = vector.broadcast %get3A_4 : vector<32x1xf32> to vector<32x1024xf32>
    %add3A_33 = vector.broadcast %get3A_31 : vector<1x1024xf32> to vector<32x1024xf32>
    %add3A_34 = arith.addf %add3A_32, %add3A_33 : vector<32x1024xf32>
    %mul3A_35 = arith.constant 2.000000e+00 : f32
    %mul3A_36 = vector.broadcast %mul3A_35 : f32 to vector<32x1024xf32>
    %mul3A_37 = arith.mulf %mul3A_36, %dot_general3A_28 : vector<32x1024xf32>
    %sub3A_38 = arith.subf %add3A_34, %mul3A_37 : vector<32x1024xf32>
    %reduce_min3A_39 = arith.constant dense<0x7F800000> : vector<32xf32>
    %reduce_min3A_40 = vector.multi_reduction <minimumf>, %sub3A_38, %reduce_min3A_39 [1] : vector<32x1024xf32> to vector<32xf32>
    %iota3A_41 = tpu.iota {dimensions = array<i32: 1>} : vector<32x1024xi32>
    %add3A_42 = arith.constant 1024 : i32
    %add3A_43 = vector.broadcast %add3A_42 : i32 to vector<32x1024xi32>
    %add3A_44 = arith.addi %iota3A_41, %add3A_43 : vector<32x1024xi32>
    %broadcast_in_dim3A_45 = vector.shape_cast %reduce_min3A_40 : vector<32xf32> to vector<32x1xf32>
    %eq3A_46 = vector.broadcast %broadcast_in_dim3A_45 : vector<32x1xf32> to vector<32x1024xf32>
    %eq3A_47 = arith.cmpf oeq, %sub3A_38, %eq3A_46 : vector<32x1024xf32>
    %jit3A_48 = arith.constant 1073741824 : i32
    %broadcast_in_dim3A_49 = vector.broadcast %jit3A_48 : i32 to vector<32x1024xi32>
    %select_n3A_50 = arith.select %eq3A_47, %add3A_44, %broadcast_in_dim3A_49 : vector<32x1024xi1>, vector<32x1024xi32>
    %reduce_min3A_51 = arith.constant dense<2147483647> : vector<32xi32>
    %reduce_min3A_52 = vector.multi_reduction <minsi>, %select_n3A_50, %reduce_min3A_51 [1] : vector<32x1024xi32> to vector<32xi32>
    %lt3A = arith.cmpf olt, %reduce_min3A_40, %reduce_min3A_16 : vector<32xf32>
    %select_n3A_53 = arith.select %lt3A, %reduce_min3A_52, %reduce_min3A_23 : vector<32xi1>, vector<32xi32>
    %select_n3A_54 = arith.select %lt3A, %reduce_min3A_40, %reduce_min3A_16 : vector<32xi1>, vector<32xf32>
    %get3A_55 = arith.constant 0 : index
    %get3A_56 = arith.constant 2048 : index
    %get3A_57 = vector.load %arg2[%get3A_55, %get3A_56] : memref<256x8192xf32, #tpu.memory_space<vmem>>, vector<256x1024xf32>
    %dot_general3A_58 = arith.constant dense<0.000000e+00> : vector<32x1024xf32>
    %dot_general3A_59 = tpu.matmul %get3A_1, %get3A_57, %dot_general3A_58 {dimension_numbers = #tpu.dot_dimension_numbers<[1], [0], [0], [1], [0, 0, 1, 1], [], []>, transpose_lhs_hint = false} : vector<32x256xf32>, vector<256x1024xf32>, vector<32x1024xf32> -> vector<32x1024xf32>
    %get3A_60 = arith.constant 0 : index
    %get3A_61 = arith.constant 2048 : index
    %get3A_62 = vector.load %arg4[%get3A_60, %get3A_61] : memref<1x8192xf32, #tpu.memory_space<vmem>>, vector<1x1024xf32>
    %add3A_63 = vector.broadcast %get3A_4 : vector<32x1xf32> to vector<32x1024xf32>
    %add3A_64 = vector.broadcast %get3A_62 : vector<1x1024xf32> to vector<32x1024xf32>
    %add3A_65 = arith.addf %add3A_63, %add3A_64 : vector<32x1024xf32>
    %mul3A_66 = arith.constant 2.000000e+00 : f32
    %mul3A_67 = vector.broadcast %mul3A_66 : f32 to vector<32x1024xf32>
    %mul3A_68 = arith.mulf %mul3A_67, %dot_general3A_59 : vector<32x1024xf32>
    %sub3A_69 = arith.subf %add3A_65, %mul3A_68 : vector<32x1024xf32>
    %reduce_min3A_70 = arith.constant dense<0x7F800000> : vector<32xf32>
    %reduce_min3A_71 = vector.multi_reduction <minimumf>, %sub3A_69, %reduce_min3A_70 [1] : vector<32x1024xf32> to vector<32xf32>
    %iota3A_72 = tpu.iota {dimensions = array<i32: 1>} : vector<32x1024xi32>
    %add3A_73 = arith.constant 2048 : i32
    %add3A_74 = vector.broadcast %add3A_73 : i32 to vector<32x1024xi32>
    %add3A_75 = arith.addi %iota3A_72, %add3A_74 : vector<32x1024xi32>
    %broadcast_in_dim3A_76 = vector.shape_cast %reduce_min3A_71 : vector<32xf32> to vector<32x1xf32>
    %eq3A_77 = vector.broadcast %broadcast_in_dim3A_76 : vector<32x1xf32> to vector<32x1024xf32>
    %eq3A_78 = arith.cmpf oeq, %sub3A_69, %eq3A_77 : vector<32x1024xf32>
    %jit3A_79 = arith.constant 1073741824 : i32
    %broadcast_in_dim3A_80 = vector.broadcast %jit3A_79 : i32 to vector<32x1024xi32>
    %select_n3A_81 = arith.select %eq3A_78, %add3A_75, %broadcast_in_dim3A_80 : vector<32x1024xi1>, vector<32x1024xi32>
    %reduce_min3A_82 = arith.constant dense<2147483647> : vector<32xi32>
    %reduce_min3A_83 = vector.multi_reduction <minsi>, %select_n3A_81, %reduce_min3A_82 [1] : vector<32x1024xi32> to vector<32xi32>
    %lt3A_84 = arith.cmpf olt, %reduce_min3A_71, %select_n3A_54 : vector<32xf32>
    %select_n3A_85 = arith.select %lt3A_84, %reduce_min3A_83, %select_n3A_53 : vector<32xi1>, vector<32xi32>
    %select_n3A_86 = arith.select %lt3A_84, %reduce_min3A_71, %select_n3A_54 : vector<32xi1>, vector<32xf32>
    %get3A_87 = arith.constant 0 : index
    %get3A_88 = arith.constant 3072 : index
    %get3A_89 = vector.load %arg2[%get3A_87, %get3A_88] : memref<256x8192xf32, #tpu.memory_space<vmem>>, vector<256x1024xf32>
    %dot_general3A_90 = arith.constant dense<0.000000e+00> : vector<32x1024xf32>
    %dot_general3A_91 = tpu.matmul %get3A_1, %get3A_89, %dot_general3A_90 {dimension_numbers = #tpu.dot_dimension_numbers<[1], [0], [0], [1], [0, 0, 1, 1], [], []>, transpose_lhs_hint = false} : vector<32x256xf32>, vector<256x1024xf32>, vector<32x1024xf32> -> vector<32x1024xf32>
    %get3A_92 = arith.constant 0 : index
    %get3A_93 = arith.constant 3072 : index
    %get3A_94 = vector.load %arg4[%get3A_92, %get3A_93] : memref<1x8192xf32, #tpu.memory_space<vmem>>, vector<1x1024xf32>
    %add3A_95 = vector.broadcast %get3A_4 : vector<32x1xf32> to vector<32x1024xf32>
    %add3A_96 = vector.broadcast %get3A_94 : vector<1x1024xf32> to vector<32x1024xf32>
    %add3A_97 = arith.addf %add3A_95, %add3A_96 : vector<32x1024xf32>
    %mul3A_98 = arith.constant 2.000000e+00 : f32
    %mul3A_99 = vector.broadcast %mul3A_98 : f32 to vector<32x1024xf32>
    %mul3A_100 = arith.mulf %mul3A_99, %dot_general3A_91 : vector<32x1024xf32>
    %sub3A_101 = arith.subf %add3A_97, %mul3A_100 : vector<32x1024xf32>
    %reduce_min3A_102 = arith.constant dense<0x7F800000> : vector<32xf32>
    %reduce_min3A_103 = vector.multi_reduction <minimumf>, %sub3A_101, %reduce_min3A_102 [1] : vector<32x1024xf32> to vector<32xf32>
    %iota3A_104 = tpu.iota {dimensions = array<i32: 1>} : vector<32x1024xi32>
    %add3A_105 = arith.constant 3072 : i32
    %add3A_106 = vector.broadcast %add3A_105 : i32 to vector<32x1024xi32>
    %add3A_107 = arith.addi %iota3A_104, %add3A_106 : vector<32x1024xi32>
    %broadcast_in_dim3A_108 = vector.shape_cast %reduce_min3A_103 : vector<32xf32> to vector<32x1xf32>
    %eq3A_109 = vector.broadcast %broadcast_in_dim3A_108 : vector<32x1xf32> to vector<32x1024xf32>
    %eq3A_110 = arith.cmpf oeq, %sub3A_101, %eq3A_109 : vector<32x1024xf32>
    %jit3A_111 = arith.constant 1073741824 : i32
    %broadcast_in_dim3A_112 = vector.broadcast %jit3A_111 : i32 to vector<32x1024xi32>
    %select_n3A_113 = arith.select %eq3A_110, %add3A_107, %broadcast_in_dim3A_112 : vector<32x1024xi1>, vector<32x1024xi32>
    %reduce_min3A_114 = arith.constant dense<2147483647> : vector<32xi32>
    %reduce_min3A_115 = vector.multi_reduction <minsi>, %select_n3A_113, %reduce_min3A_114 [1] : vector<32x1024xi32> to vector<32xi32>
    %lt3A_116 = arith.cmpf olt, %reduce_min3A_103, %select_n3A_86 : vector<32xf32>
    %select_n3A_117 = arith.select %lt3A_116, %reduce_min3A_115, %select_n3A_85 : vector<32xi1>, vector<32xi32>
    %select_n3A_118 = arith.select %lt3A_116, %reduce_min3A_103, %select_n3A_86 : vector<32xi1>, vector<32xf32>
    %get3A_119 = arith.constant 0 : index
    %get3A_120 = arith.constant 4096 : index
    %get3A_121 = vector.load %arg2[%get3A_119, %get3A_120] : memref<256x8192xf32, #tpu.memory_space<vmem>>, vector<256x1024xf32>
    %dot_general3A_122 = arith.constant dense<0.000000e+00> : vector<32x1024xf32>
    %dot_general3A_123 = tpu.matmul %get3A_1, %get3A_121, %dot_general3A_122 {dimension_numbers = #tpu.dot_dimension_numbers<[1], [0], [0], [1], [0, 0, 1, 1], [], []>, transpose_lhs_hint = false} : vector<32x256xf32>, vector<256x1024xf32>, vector<32x1024xf32> -> vector<32x1024xf32>
    %get3A_124 = arith.constant 0 : index
    %get3A_125 = arith.constant 4096 : index
    %get3A_126 = vector.load %arg4[%get3A_124, %get3A_125] : memref<1x8192xf32, #tpu.memory_space<vmem>>, vector<1x1024xf32>
    %add3A_127 = vector.broadcast %get3A_4 : vector<32x1xf32> to vector<32x1024xf32>
    %add3A_128 = vector.broadcast %get3A_126 : vector<1x1024xf32> to vector<32x1024xf32>
    %add3A_129 = arith.addf %add3A_127, %add3A_128 : vector<32x1024xf32>
    %mul3A_130 = arith.constant 2.000000e+00 : f32
    %mul3A_131 = vector.broadcast %mul3A_130 : f32 to vector<32x1024xf32>
    %mul3A_132 = arith.mulf %mul3A_131, %dot_general3A_123 : vector<32x1024xf32>
    %sub3A_133 = arith.subf %add3A_129, %mul3A_132 : vector<32x1024xf32>
    %reduce_min3A_134 = arith.constant dense<0x7F800000> : vector<32xf32>
    %reduce_min3A_135 = vector.multi_reduction <minimumf>, %sub3A_133, %reduce_min3A_134 [1] : vector<32x1024xf32> to vector<32xf32>
    %iota3A_136 = tpu.iota {dimensions = array<i32: 1>} : vector<32x1024xi32>
    %add3A_137 = arith.constant 4096 : i32
    %add3A_138 = vector.broadcast %add3A_137 : i32 to vector<32x1024xi32>
    %add3A_139 = arith.addi %iota3A_136, %add3A_138 : vector<32x1024xi32>
    %broadcast_in_dim3A_140 = vector.shape_cast %reduce_min3A_135 : vector<32xf32> to vector<32x1xf32>
    %eq3A_141 = vector.broadcast %broadcast_in_dim3A_140 : vector<32x1xf32> to vector<32x1024xf32>
    %eq3A_142 = arith.cmpf oeq, %sub3A_133, %eq3A_141 : vector<32x1024xf32>
    %jit3A_143 = arith.constant 1073741824 : i32
    %broadcast_in_dim3A_144 = vector.broadcast %jit3A_143 : i32 to vector<32x1024xi32>
    %select_n3A_145 = arith.select %eq3A_142, %add3A_139, %broadcast_in_dim3A_144 : vector<32x1024xi1>, vector<32x1024xi32>
    %reduce_min3A_146 = arith.constant dense<2147483647> : vector<32xi32>
    %reduce_min3A_147 = vector.multi_reduction <minsi>, %select_n3A_145, %reduce_min3A_146 [1] : vector<32x1024xi32> to vector<32xi32>
    %lt3A_148 = arith.cmpf olt, %reduce_min3A_135, %select_n3A_118 : vector<32xf32>
    %select_n3A_149 = arith.select %lt3A_148, %reduce_min3A_147, %select_n3A_117 : vector<32xi1>, vector<32xi32>
    %select_n3A_150 = arith.select %lt3A_148, %reduce_min3A_135, %select_n3A_118 : vector<32xi1>, vector<32xf32>
    %get3A_151 = arith.constant 0 : index
    %get3A_152 = arith.constant 5120 : index
    %get3A_153 = vector.load %arg2[%get3A_151, %get3A_152] : memref<256x8192xf32, #tpu.memory_space<vmem>>, vector<256x1024xf32>
    %dot_general3A_154 = arith.constant dense<0.000000e+00> : vector<32x1024xf32>
    %dot_general3A_155 = tpu.matmul %get3A_1, %get3A_153, %dot_general3A_154 {dimension_numbers = #tpu.dot_dimension_numbers<[1], [0], [0], [1], [0, 0, 1, 1], [], []>, transpose_lhs_hint = false} : vector<32x256xf32>, vector<256x1024xf32>, vector<32x1024xf32> -> vector<32x1024xf32>
    %get3A_156 = arith.constant 0 : index
    %get3A_157 = arith.constant 5120 : index
    %get3A_158 = vector.load %arg4[%get3A_156, %get3A_157] : memref<1x8192xf32, #tpu.memory_space<vmem>>, vector<1x1024xf32>
    %add3A_159 = vector.broadcast %get3A_4 : vector<32x1xf32> to vector<32x1024xf32>
    %add3A_160 = vector.broadcast %get3A_158 : vector<1x1024xf32> to vector<32x1024xf32>
    %add3A_161 = arith.addf %add3A_159, %add3A_160 : vector<32x1024xf32>
    %mul3A_162 = arith.constant 2.000000e+00 : f32
    %mul3A_163 = vector.broadcast %mul3A_162 : f32 to vector<32x1024xf32>
    %mul3A_164 = arith.mulf %mul3A_163, %dot_general3A_155 : vector<32x1024xf32>
    %sub3A_165 = arith.subf %add3A_161, %mul3A_164 : vector<32x1024xf32>
    %reduce_min3A_166 = arith.constant dense<0x7F800000> : vector<32xf32>
    %reduce_min3A_167 = vector.multi_reduction <minimumf>, %sub3A_165, %reduce_min3A_166 [1] : vector<32x1024xf32> to vector<32xf32>
    %iota3A_168 = tpu.iota {dimensions = array<i32: 1>} : vector<32x1024xi32>
    %add3A_169 = arith.constant 5120 : i32
    %add3A_170 = vector.broadcast %add3A_169 : i32 to vector<32x1024xi32>
    %add3A_171 = arith.addi %iota3A_168, %add3A_170 : vector<32x1024xi32>
    %broadcast_in_dim3A_172 = vector.shape_cast %reduce_min3A_167 : vector<32xf32> to vector<32x1xf32>
    %eq3A_173 = vector.broadcast %broadcast_in_dim3A_172 : vector<32x1xf32> to vector<32x1024xf32>
    %eq3A_174 = arith.cmpf oeq, %sub3A_165, %eq3A_173 : vector<32x1024xf32>
    %jit3A_175 = arith.constant 1073741824 : i32
    %broadcast_in_dim3A_176 = vector.broadcast %jit3A_175 : i32 to vector<32x1024xi32>
    %select_n3A_177 = arith.select %eq3A_174, %add3A_171, %broadcast_in_dim3A_176 : vector<32x1024xi1>, vector<32x1024xi32>
    %reduce_min3A_178 = arith.constant dense<2147483647> : vector<32xi32>
    %reduce_min3A_179 = vector.multi_reduction <minsi>, %select_n3A_177, %reduce_min3A_178 [1] : vector<32x1024xi32> to vector<32xi32>
    %lt3A_180 = arith.cmpf olt, %reduce_min3A_167, %select_n3A_150 : vector<32xf32>
    %select_n3A_181 = arith.select %lt3A_180, %reduce_min3A_179, %select_n3A_149 : vector<32xi1>, vector<32xi32>
    %select_n3A_182 = arith.select %lt3A_180, %reduce_min3A_167, %select_n3A_150 : vector<32xi1>, vector<32xf32>
    %get3A_183 = arith.constant 0 : index
    %get3A_184 = arith.constant 6144 : index
    %get3A_185 = vector.load %arg2[%get3A_183, %get3A_184] : memref<256x8192xf32, #tpu.memory_space<vmem>>, vector<256x1024xf32>
    %dot_general3A_186 = arith.constant dense<0.000000e+00> : vector<32x1024xf32>
    %dot_general3A_187 = tpu.matmul %get3A_1, %get3A_185, %dot_general3A_186 {dimension_numbers = #tpu.dot_dimension_numbers<[1], [0], [0], [1], [0, 0, 1, 1], [], []>, transpose_lhs_hint = false} : vector<32x256xf32>, vector<256x1024xf32>, vector<32x1024xf32> -> vector<32x1024xf32>
    %get3A_188 = arith.constant 0 : index
    %get3A_189 = arith.constant 6144 : index
    %get3A_190 = vector.load %arg4[%get3A_188, %get3A_189] : memref<1x8192xf32, #tpu.memory_space<vmem>>, vector<1x1024xf32>
    %add3A_191 = vector.broadcast %get3A_4 : vector<32x1xf32> to vector<32x1024xf32>
    %add3A_192 = vector.broadcast %get3A_190 : vector<1x1024xf32> to vector<32x1024xf32>
    %add3A_193 = arith.addf %add3A_191, %add3A_192 : vector<32x1024xf32>
    %mul3A_194 = arith.constant 2.000000e+00 : f32
    %mul3A_195 = vector.broadcast %mul3A_194 : f32 to vector<32x1024xf32>
    %mul3A_196 = arith.mulf %mul3A_195, %dot_general3A_187 : vector<32x1024xf32>
    %sub3A_197 = arith.subf %add3A_193, %mul3A_196 : vector<32x1024xf32>
    %reduce_min3A_198 = arith.constant dense<0x7F800000> : vector<32xf32>
    %reduce_min3A_199 = vector.multi_reduction <minimumf>, %sub3A_197, %reduce_min3A_198 [1] : vector<32x1024xf32> to vector<32xf32>
    %iota3A_200 = tpu.iota {dimensions = array<i32: 1>} : vector<32x1024xi32>
    %add3A_201 = arith.constant 6144 : i32
    %add3A_202 = vector.broadcast %add3A_201 : i32 to vector<32x1024xi32>
    %add3A_203 = arith.addi %iota3A_200, %add3A_202 : vector<32x1024xi32>
    %broadcast_in_dim3A_204 = vector.shape_cast %reduce_min3A_199 : vector<32xf32> to vector<32x1xf32>
    %eq3A_205 = vector.broadcast %broadcast_in_dim3A_204 : vector<32x1xf32> to vector<32x1024xf32>
    %eq3A_206 = arith.cmpf oeq, %sub3A_197, %eq3A_205 : vector<32x1024xf32>
    %jit3A_207 = arith.constant 1073741824 : i32
    %broadcast_in_dim3A_208 = vector.broadcast %jit3A_207 : i32 to vector<32x1024xi32>
    %select_n3A_209 = arith.select %eq3A_206, %add3A_203, %broadcast_in_dim3A_208 : vector<32x1024xi1>, vector<32x1024xi32>
    %reduce_min3A_210 = arith.constant dense<2147483647> : vector<32xi32>
    %reduce_min3A_211 = vector.multi_reduction <minsi>, %select_n3A_209, %reduce_min3A_210 [1] : vector<32x1024xi32> to vector<32xi32>
    %lt3A_212 = arith.cmpf olt, %reduce_min3A_199, %select_n3A_182 : vector<32xf32>
    %select_n3A_213 = arith.select %lt3A_212, %reduce_min3A_211, %select_n3A_181 : vector<32xi1>, vector<32xi32>
    %select_n3A_214 = arith.select %lt3A_212, %reduce_min3A_199, %select_n3A_182 : vector<32xi1>, vector<32xf32>
    %get3A_215 = arith.constant 0 : index
    %get3A_216 = arith.constant 7168 : index
    %get3A_217 = vector.load %arg2[%get3A_215, %get3A_216] : memref<256x8192xf32, #tpu.memory_space<vmem>>, vector<256x1024xf32>
    %dot_general3A_218 = arith.constant dense<0.000000e+00> : vector<32x1024xf32>
    %dot_general3A_219 = tpu.matmul %get3A_1, %get3A_217, %dot_general3A_218 {dimension_numbers = #tpu.dot_dimension_numbers<[1], [0], [0], [1], [0, 0, 1, 1], [], []>, transpose_lhs_hint = false} : vector<32x256xf32>, vector<256x1024xf32>, vector<32x1024xf32> -> vector<32x1024xf32>
    %get3A_220 = arith.constant 0 : index
    %get3A_221 = arith.constant 7168 : index
    %get3A_222 = vector.load %arg4[%get3A_220, %get3A_221] : memref<1x8192xf32, #tpu.memory_space<vmem>>, vector<1x1024xf32>
    %add3A_223 = vector.broadcast %get3A_4 : vector<32x1xf32> to vector<32x1024xf32>
    %add3A_224 = vector.broadcast %get3A_222 : vector<1x1024xf32> to vector<32x1024xf32>
    %add3A_225 = arith.addf %add3A_223, %add3A_224 : vector<32x1024xf32>
    %mul3A_226 = arith.constant 2.000000e+00 : f32
    %mul3A_227 = vector.broadcast %mul3A_226 : f32 to vector<32x1024xf32>
    %mul3A_228 = arith.mulf %mul3A_227, %dot_general3A_219 : vector<32x1024xf32>
    %sub3A_229 = arith.subf %add3A_225, %mul3A_228 : vector<32x1024xf32>
    %reduce_min3A_230 = arith.constant dense<0x7F800000> : vector<32xf32>
    %reduce_min3A_231 = vector.multi_reduction <minimumf>, %sub3A_229, %reduce_min3A_230 [1] : vector<32x1024xf32> to vector<32xf32>
    %iota3A_232 = tpu.iota {dimensions = array<i32: 1>} : vector<32x1024xi32>
    %add3A_233 = arith.constant 7168 : i32
    %add3A_234 = vector.broadcast %add3A_233 : i32 to vector<32x1024xi32>
    %add3A_235 = arith.addi %iota3A_232, %add3A_234 : vector<32x1024xi32>
    %broadcast_in_dim3A_236 = vector.shape_cast %reduce_min3A_231 : vector<32xf32> to vector<32x1xf32>
    %eq3A_237 = vector.broadcast %broadcast_in_dim3A_236 : vector<32x1xf32> to vector<32x1024xf32>
    %eq3A_238 = arith.cmpf oeq, %sub3A_229, %eq3A_237 : vector<32x1024xf32>
    %jit3A_239 = arith.constant 1073741824 : i32
    %broadcast_in_dim3A_240 = vector.broadcast %jit3A_239 : i32 to vector<32x1024xi32>
    %select_n3A_241 = arith.select %eq3A_238, %add3A_235, %broadcast_in_dim3A_240 : vector<32x1024xi1>, vector<32x1024xi32>
    %reduce_min3A_242 = arith.constant dense<2147483647> : vector<32xi32>
    %reduce_min3A_243 = vector.multi_reduction <minsi>, %select_n3A_241, %reduce_min3A_242 [1] : vector<32x1024xi32> to vector<32xi32>
    %lt3A_244 = arith.cmpf olt, %reduce_min3A_231, %select_n3A_214 : vector<32xf32>
    %select_n3A_245 = arith.select %lt3A_244, %reduce_min3A_243, %select_n3A_213 : vector<32xi1>, vector<32xi32>
    %swap3A = arith.constant 0 : index
    %swap3A_246 = arith.constant 0 : index
    %swap3A_247 = arith.constant 0 : index
    %swap3A_248 = vector.load %arg5[%swap3A, %swap3A_246, %swap3A_247] : memref<1x1x32xi32, #tpu.memory_space<vmem>>, vector<1x1x32xi32>
    %swap3A_249 = vector.shape_cast %swap3A_248 : vector<1x1x32xi32> to vector<32xi32>
    %swap3A_250 = vector.shape_cast %select_n3A_245 : vector<32xi32> to vector<1x1x32xi32>
    tpu.vector_store %arg5[%swap3A, %swap3A_246, %swap3A_247], %swap3A_250 {strides = array<i32>} : memref<1x1x32xi32, #tpu.memory_space<vmem>>, vector<1x1x32xi32>,
    return
  }
  func.func @transform_0(%arg0: i32) -> (i32, i32) {
    %c0_i32 = arith.constant 0 : i32
    %c0_i32_0 = arith.constant 0 : i32
    return %arg0, %c0_i32 : i32, i32
  }
  func.func @transform_1(%arg0: i32) -> (i32, i32) {
    %c0_i32 = arith.constant 0 : i32
    %c0_i32_0 = arith.constant 0 : i32
    %c0_i32_1 = arith.constant 0 : i32
    return %c0_i32, %c0_i32_0 : i32, i32
  }
  func.func @transform_2(%arg0: i32) -> (i32, i32) {
    %c0_i32 = arith.constant 0 : i32
    %c0_i32_0 = arith.constant 0 : i32
    return %arg0, %c0_i32 : i32, i32
  }
  func.func @transform_3(%arg0: i32) -> (i32, i32) {
    %c0_i32 = arith.constant 0 : i32
    %c0_i32_0 = arith.constant 0 : i32
    %c0_i32_1 = arith.constant 0 : i32
    return %c0_i32, %c0_i32_0 : i32, i32
  }
  func.func @transform_4(%arg0: i32) -> (i32, i32, i32) {
    %c0_i32 = arith.constant 0 : i32
    %c0_i32_0 = arith.constant 0 : i32
    %c0_i32_1 = arith.constant 0 : i32
    return %arg0, %c0_i32, %c0_i32_0 : i32, i32, i32
  }
}

module attributes {stable_mosaic.version = 14 : i64} {
  func.func @_ma_body(%arg0: i32, %arg1: memref<512x256xf32, #tpu.memory_space<vmem>>, %arg2: memref<256x8192xf32, #tpu.memory_space<vmem>>, %arg3: memref<512x1xf32, #tpu.memory_space<vmem>>, %arg4: memref<1x8192xf32, #tpu.memory_space<vmem>>, %arg5: memref<1x1x512xi32, #tpu.memory_space<vmem>>) attributes {dimension_semantics = [#tpu.dimension_semantics<arbitrary>], iteration_bounds = array<i64: 1>, scalar_prefetch = 0 : i64, scratch_operands = 0 : i64, tpu.core_type = #tpu.core_type<tc>, window_params = [{transform_indices = @transform_0, window_bounds = array<i64: 512, 256>}, {pipeline_mode = #tpu.pipeline_mode<synchronous>, transform_indices = @transform_1, window_bounds = array<i64: 256, 8192>}, {transform_indices = @transform_2, window_bounds = array<i64: 512, 1>}, {pipeline_mode = #tpu.pipeline_mode<synchronous>, transform_indices = @transform_3, window_bounds = array<i64: 1, 8192>}, {transform_indices = @transform_4, window_bounds = array<i64: 1, 1, 512>}]} {
    %get3A = arith.constant 0 : index
    %get3A_0 = arith.constant 0 : index
    %get3A_1 = vector.load %arg1[%get3A, %get3A_0] : memref<512x256xf32, #tpu.memory_space<vmem>>, vector<512x256xf32>
    %get3A_2 = arith.constant 0 : index
    %get3A_3 = arith.constant 0 : index
    %get3A_4 = vector.load %arg3[%get3A_2, %get3A_3] : memref<512x1xf32, #tpu.memory_space<vmem>>, vector<512x1xf32>
    %get3A_5 = arith.constant 0 : index
    %get3A_6 = arith.constant 0 : index
    %get3A_7 = vector.load %arg2[%get3A_5, %get3A_6] : memref<256x8192xf32, #tpu.memory_space<vmem>>, vector<256x1024xf32>
    %dot_general3A = arith.constant dense<0.000000e+00> : vector<512x1024xf32>
    %dot_general3A_8 = tpu.matmul %get3A_1, %get3A_7, %dot_general3A {dimension_numbers = #tpu.dot_dimension_numbers<[1], [0], [0], [1], [0, 0, 1, 1], [], []>, transpose_lhs_hint = false} : vector<512x256xf32>, vector<256x1024xf32>, vector<512x1024xf32> -> vector<512x1024xf32>
    %get3A_9 = arith.constant 0 : index
    %get3A_10 = arith.constant 0 : index
    %get3A_11 = vector.load %arg4[%get3A_9, %get3A_10] : memref<1x8192xf32, #tpu.memory_space<vmem>>, vector<1x1024xf32>
    %add3A = vector.broadcast %get3A_4 : vector<512x1xf32> to vector<512x1024xf32>
    %add3A_12 = vector.broadcast %get3A_11 : vector<1x1024xf32> to vector<512x1024xf32>
    %add3A_13 = arith.addf %add3A, %add3A_12 : vector<512x1024xf32>
    %mul3A = arith.constant 2.000000e+00 : f32
    %mul3A_14 = vector.broadcast %mul3A : f32 to vector<512x1024xf32>
    %mul3A_15 = arith.mulf %mul3A_14, %dot_general3A_8 : vector<512x1024xf32>
    %sub3A = arith.subf %add3A_13, %mul3A_15 : vector<512x1024xf32>
    %reduce_min3A = arith.constant dense<0x7F800000> : vector<512xf32>
    %reduce_min3A_16 = vector.multi_reduction <minimumf>, %sub3A, %reduce_min3A [1] : vector<512x1024xf32> to vector<512xf32>
    %iota3A = tpu.iota {dimensions = array<i32: 1>} : vector<512x1024xi32>
    %add3A_17 = arith.constant 0 : i32
    %add3A_18 = vector.broadcast %add3A_17 : i32 to vector<512x1024xi32>
    %add3A_19 = arith.addi %iota3A, %add3A_18 : vector<512x1024xi32>
    %broadcast_in_dim3A = vector.shape_cast %reduce_min3A_16 : vector<512xf32> to vector<512x1xf32>
    %eq3A = vector.broadcast %broadcast_in_dim3A : vector<512x1xf32> to vector<512x1024xf32>
    %eq3A_20 = arith.cmpf oeq, %sub3A, %eq3A : vector<512x1024xf32>
    %jit3A = arith.constant 1073741824 : i32
    %broadcast_in_dim3A_21 = vector.broadcast %jit3A : i32 to vector<512x1024xi32>
    %select_n3A = arith.select %eq3A_20, %add3A_19, %broadcast_in_dim3A_21 : vector<512x1024xi1>, vector<512x1024xi32>
    %reduce_min3A_22 = arith.constant dense<2147483647> : vector<512xi32>
    %reduce_min3A_23 = vector.multi_reduction <minsi>, %select_n3A, %reduce_min3A_22 [1] : vector<512x1024xi32> to vector<512xi32>
    %get3A_24 = arith.constant 0 : index
    %get3A_25 = arith.constant 1024 : index
    %get3A_26 = vector.load %arg2[%get3A_24, %get3A_25] : memref<256x8192xf32, #tpu.memory_space<vmem>>, vector<256x1024xf32>
    %dot_general3A_27 = arith.constant dense<0.000000e+00> : vector<512x1024xf32>
    %dot_general3A_28 = tpu.matmul %get3A_1, %get3A_26, %dot_general3A_27 {dimension_numbers = #tpu.dot_dimension_numbers<[1], [0], [0], [1], [0, 0, 1, 1], [], []>, transpose_lhs_hint = false} : vector<512x256xf32>, vector<256x1024xf32>, vector<512x1024xf32> -> vector<512x1024xf32>
    %get3A_29 = arith.constant 0 : index
    %get3A_30 = arith.constant 1024 : index
    %get3A_31 = vector.load %arg4[%get3A_29, %get3A_30] : memref<1x8192xf32, #tpu.memory_space<vmem>>, vector<1x1024xf32>
    %add3A_32 = vector.broadcast %get3A_4 : vector<512x1xf32> to vector<512x1024xf32>
    %add3A_33 = vector.broadcast %get3A_31 : vector<1x1024xf32> to vector<512x1024xf32>
    %add3A_34 = arith.addf %add3A_32, %add3A_33 : vector<512x1024xf32>
    %mul3A_35 = arith.constant 2.000000e+00 : f32
    %mul3A_36 = vector.broadcast %mul3A_35 : f32 to vector<512x1024xf32>
    %mul3A_37 = arith.mulf %mul3A_36, %dot_general3A_28 : vector<512x1024xf32>
    %sub3A_38 = arith.subf %add3A_34, %mul3A_37 : vector<512x1024xf32>
    %reduce_min3A_39 = arith.constant dense<0x7F800000> : vector<512xf32>
    %reduce_min3A_40 = vector.multi_reduction <minimumf>, %sub3A_38, %reduce_min3A_39 [1] : vector<512x1024xf32> to vector<512xf32>
    %iota3A_41 = tpu.iota {dimensions = array<i32: 1>} : vector<512x1024xi32>
    %add3A_42 = arith.constant 1024 : i32
    %add3A_43 = vector.broadcast %add3A_42 : i32 to vector<512x1024xi32>
    %add3A_44 = arith.addi %iota3A_41, %add3A_43 : vector<512x1024xi32>
    %broadcast_in_dim3A_45 = vector.shape_cast %reduce_min3A_40 : vector<512xf32> to vector<512x1xf32>
    %eq3A_46 = vector.broadcast %broadcast_in_dim3A_45 : vector<512x1xf32> to vector<512x1024xf32>
    %eq3A_47 = arith.cmpf oeq, %sub3A_38, %eq3A_46 : vector<512x1024xf32>
    %jit3A_48 = arith.constant 1073741824 : i32
    %broadcast_in_dim3A_49 = vector.broadcast %jit3A_48 : i32 to vector<512x1024xi32>
    %select_n3A_50 = arith.select %eq3A_47, %add3A_44, %broadcast_in_dim3A_49 : vector<512x1024xi1>, vector<512x1024xi32>
    %reduce_min3A_51 = arith.constant dense<2147483647> : vector<512xi32>
    %reduce_min3A_52 = vector.multi_reduction <minsi>, %select_n3A_50, %reduce_min3A_51 [1] : vector<512x1024xi32> to vector<512xi32>
    %lt3A = arith.cmpf olt, %reduce_min3A_40, %reduce_min3A_16 : vector<512xf32>
    %select_n3A_53 = arith.select %lt3A, %reduce_min3A_52, %reduce_min3A_23 : vector<512xi1>, vector<512xi32>
    %select_n3A_54 = arith.select %lt3A, %reduce_min3A_40, %reduce_min3A_16 : vector<512xi1>, vector<512xf32>
    %get3A_55 = arith.constant 0 : index
    %get3A_56 = arith.constant 2048 : index
    %get3A_57 = vector.load %arg2[%get3A_55, %get3A_56] : memref<256x8192xf32, #tpu.memory_space<vmem>>, vector<256x1024xf32>
    %dot_general3A_58 = arith.constant dense<0.000000e+00> : vector<512x1024xf32>
    %dot_general3A_59 = tpu.matmul %get3A_1, %get3A_57, %dot_general3A_58 {dimension_numbers = #tpu.dot_dimension_numbers<[1], [0], [0], [1], [0, 0, 1, 1], [], []>, transpose_lhs_hint = false} : vector<512x256xf32>, vector<256x1024xf32>, vector<512x1024xf32> -> vector<512x1024xf32>
    %get3A_60 = arith.constant 0 : index
    %get3A_61 = arith.constant 2048 : index
    %get3A_62 = vector.load %arg4[%get3A_60, %get3A_61] : memref<1x8192xf32, #tpu.memory_space<vmem>>, vector<1x1024xf32>
    %add3A_63 = vector.broadcast %get3A_4 : vector<512x1xf32> to vector<512x1024xf32>
    %add3A_64 = vector.broadcast %get3A_62 : vector<1x1024xf32> to vector<512x1024xf32>
    %add3A_65 = arith.addf %add3A_63, %add3A_64 : vector<512x1024xf32>
    %mul3A_66 = arith.constant 2.000000e+00 : f32
    %mul3A_67 = vector.broadcast %mul3A_66 : f32 to vector<512x1024xf32>
    %mul3A_68 = arith.mulf %mul3A_67, %dot_general3A_59 : vector<512x1024xf32>
    %sub3A_69 = arith.subf %add3A_65, %mul3A_68 : vector<512x1024xf32>
    %reduce_min3A_70 = arith.constant dense<0x7F800000> : vector<512xf32>
    %reduce_min3A_71 = vector.multi_reduction <minimumf>, %sub3A_69, %reduce_min3A_70 [1] : vector<512x1024xf32> to vector<512xf32>
    %iota3A_72 = tpu.iota {dimensions = array<i32: 1>} : vector<512x1024xi32>
    %add3A_73 = arith.constant 2048 : i32
    %add3A_74 = vector.broadcast %add3A_73 : i32 to vector<512x1024xi32>
    %add3A_75 = arith.addi %iota3A_72, %add3A_74 : vector<512x1024xi32>
    %broadcast_in_dim3A_76 = vector.shape_cast %reduce_min3A_71 : vector<512xf32> to vector<512x1xf32>
    %eq3A_77 = vector.broadcast %broadcast_in_dim3A_76 : vector<512x1xf32> to vector<512x1024xf32>
    %eq3A_78 = arith.cmpf oeq, %sub3A_69, %eq3A_77 : vector<512x1024xf32>
    %jit3A_79 = arith.constant 1073741824 : i32
    %broadcast_in_dim3A_80 = vector.broadcast %jit3A_79 : i32 to vector<512x1024xi32>
    %select_n3A_81 = arith.select %eq3A_78, %add3A_75, %broadcast_in_dim3A_80 : vector<512x1024xi1>, vector<512x1024xi32>
    %reduce_min3A_82 = arith.constant dense<2147483647> : vector<512xi32>
    %reduce_min3A_83 = vector.multi_reduction <minsi>, %select_n3A_81, %reduce_min3A_82 [1] : vector<512x1024xi32> to vector<512xi32>
    %lt3A_84 = arith.cmpf olt, %reduce_min3A_71, %select_n3A_54 : vector<512xf32>
    %select_n3A_85 = arith.select %lt3A_84, %reduce_min3A_83, %select_n3A_53 : vector<512xi1>, vector<512xi32>
    %select_n3A_86 = arith.select %lt3A_84, %reduce_min3A_71, %select_n3A_54 : vector<512xi1>, vector<512xf32>
    %get3A_87 = arith.constant 0 : index
    %get3A_88 = arith.constant 3072 : index
    %get3A_89 = vector.load %arg2[%get3A_87, %get3A_88] : memref<256x8192xf32, #tpu.memory_space<vmem>>, vector<256x1024xf32>
    %dot_general3A_90 = arith.constant dense<0.000000e+00> : vector<512x1024xf32>
    %dot_general3A_91 = tpu.matmul %get3A_1, %get3A_89, %dot_general3A_90 {dimension_numbers = #tpu.dot_dimension_numbers<[1], [0], [0], [1], [0, 0, 1, 1], [], []>, transpose_lhs_hint = false} : vector<512x256xf32>, vector<256x1024xf32>, vector<512x1024xf32> -> vector<512x1024xf32>
    %get3A_92 = arith.constant 0 : index
    %get3A_93 = arith.constant 3072 : index
    %get3A_94 = vector.load %arg4[%get3A_92, %get3A_93] : memref<1x8192xf32, #tpu.memory_space<vmem>>, vector<1x1024xf32>
    %add3A_95 = vector.broadcast %get3A_4 : vector<512x1xf32> to vector<512x1024xf32>
    %add3A_96 = vector.broadcast %get3A_94 : vector<1x1024xf32> to vector<512x1024xf32>
    %add3A_97 = arith.addf %add3A_95, %add3A_96 : vector<512x1024xf32>
    %mul3A_98 = arith.constant 2.000000e+00 : f32
    %mul3A_99 = vector.broadcast %mul3A_98 : f32 to vector<512x1024xf32>
    %mul3A_100 = arith.mulf %mul3A_99, %dot_general3A_91 : vector<512x1024xf32>
    %sub3A_101 = arith.subf %add3A_97, %mul3A_100 : vector<512x1024xf32>
    %reduce_min3A_102 = arith.constant dense<0x7F800000> : vector<512xf32>
    %reduce_min3A_103 = vector.multi_reduction <minimumf>, %sub3A_101, %reduce_min3A_102 [1] : vector<512x1024xf32> to vector<512xf32>
    %iota3A_104 = tpu.iota {dimensions = array<i32: 1>} : vector<512x1024xi32>
    %add3A_105 = arith.constant 3072 : i32
    %add3A_106 = vector.broadcast %add3A_105 : i32 to vector<512x1024xi32>
    %add3A_107 = arith.addi %iota3A_104, %add3A_106 : vector<512x1024xi32>
    %broadcast_in_dim3A_108 = vector.shape_cast %reduce_min3A_103 : vector<512xf32> to vector<512x1xf32>
    %eq3A_109 = vector.broadcast %broadcast_in_dim3A_108 : vector<512x1xf32> to vector<512x1024xf32>
    %eq3A_110 = arith.cmpf oeq, %sub3A_101, %eq3A_109 : vector<512x1024xf32>
    %jit3A_111 = arith.constant 1073741824 : i32
    %broadcast_in_dim3A_112 = vector.broadcast %jit3A_111 : i32 to vector<512x1024xi32>
    %select_n3A_113 = arith.select %eq3A_110, %add3A_107, %broadcast_in_dim3A_112 : vector<512x1024xi1>, vector<512x1024xi32>
    %reduce_min3A_114 = arith.constant dense<2147483647> : vector<512xi32>
    %reduce_min3A_115 = vector.multi_reduction <minsi>, %select_n3A_113, %reduce_min3A_114 [1] : vector<512x1024xi32> to vector<512xi32>
    %lt3A_116 = arith.cmpf olt, %reduce_min3A_103, %select_n3A_86 : vector<512xf32>
    %select_n3A_117 = arith.select %lt3A_116, %reduce_min3A_115, %select_n3A_85 : vector<512xi1>, vector<512xi32>
    %select_n3A_118 = arith.select %lt3A_116, %reduce_min3A_103, %select_n3A_86 : vector<512xi1>, vector<512xf32>
    %get3A_119 = arith.constant 0 : index
    %get3A_120 = arith.constant 4096 : index
    %get3A_121 = vector.load %arg2[%get3A_119, %get3A_120] : memref<256x8192xf32, #tpu.memory_space<vmem>>, vector<256x1024xf32>
    %dot_general3A_122 = arith.constant dense<0.000000e+00> : vector<512x1024xf32>
    %dot_general3A_123 = tpu.matmul %get3A_1, %get3A_121, %dot_general3A_122 {dimension_numbers = #tpu.dot_dimension_numbers<[1], [0], [0], [1], [0, 0, 1, 1], [], []>, transpose_lhs_hint = false} : vector<512x256xf32>, vector<256x1024xf32>, vector<512x1024xf32> -> vector<512x1024xf32>
    %get3A_124 = arith.constant 0 : index
    %get3A_125 = arith.constant 4096 : index
    %get3A_126 = vector.load %arg4[%get3A_124, %get3A_125] : memref<1x8192xf32, #tpu.memory_space<vmem>>, vector<1x1024xf32>
    %add3A_127 = vector.broadcast %get3A_4 : vector<512x1xf32> to vector<512x1024xf32>
    %add3A_128 = vector.broadcast %get3A_126 : vector<1x1024xf32> to vector<512x1024xf32>
    %add3A_129 = arith.addf %add3A_127, %add3A_128 : vector<512x1024xf32>
    %mul3A_130 = arith.constant 2.000000e+00 : f32
    %mul3A_131 = vector.broadcast %mul3A_130 : f32 to vector<512x1024xf32>
    %mul3A_132 = arith.mulf %mul3A_131, %dot_general3A_123 : vector<512x1024xf32>
    %sub3A_133 = arith.subf %add3A_129, %mul3A_132 : vector<512x1024xf32>
    %reduce_min3A_134 = arith.constant dense<0x7F800000> : vector<512xf32>
    %reduce_min3A_135 = vector.multi_reduction <minimumf>, %sub3A_133, %reduce_min3A_134 [1] : vector<512x1024xf32> to vector<512xf32>
    %iota3A_136 = tpu.iota {dimensions = array<i32: 1>} : vector<512x1024xi32>
    %add3A_137 = arith.constant 4096 : i32
    %add3A_138 = vector.broadcast %add3A_137 : i32 to vector<512x1024xi32>
    %add3A_139 = arith.addi %iota3A_136, %add3A_138 : vector<512x1024xi32>
    %broadcast_in_dim3A_140 = vector.shape_cast %reduce_min3A_135 : vector<512xf32> to vector<512x1xf32>
    %eq3A_141 = vector.broadcast %broadcast_in_dim3A_140 : vector<512x1xf32> to vector<512x1024xf32>
    %eq3A_142 = arith.cmpf oeq, %sub3A_133, %eq3A_141 : vector<512x1024xf32>
    %jit3A_143 = arith.constant 1073741824 : i32
    %broadcast_in_dim3A_144 = vector.broadcast %jit3A_143 : i32 to vector<512x1024xi32>
    %select_n3A_145 = arith.select %eq3A_142, %add3A_139, %broadcast_in_dim3A_144 : vector<512x1024xi1>, vector<512x1024xi32>
    %reduce_min3A_146 = arith.constant dense<2147483647> : vector<512xi32>
    %reduce_min3A_147 = vector.multi_reduction <minsi>, %select_n3A_145, %reduce_min3A_146 [1] : vector<512x1024xi32> to vector<512xi32>
    %lt3A_148 = arith.cmpf olt, %reduce_min3A_135, %select_n3A_118 : vector<512xf32>
    %select_n3A_149 = arith.select %lt3A_148, %reduce_min3A_147, %select_n3A_117 : vector<512xi1>, vector<512xi32>
    %select_n3A_150 = arith.select %lt3A_148, %reduce_min3A_135, %select_n3A_118 : vector<512xi1>, vector<512xf32>
    %get3A_151 = arith.constant 0 : index
    %get3A_152 = arith.constant 5120 : index
    %get3A_153 = vector.load %arg2[%get3A_151, %get3A_152] : memref<256x8192xf32, #tpu.memory_space<vmem>>, vector<256x1024xf32>
    %dot_general3A_154 = arith.constant dense<0.000000e+00> : vector<512x1024xf32>
    %dot_general3A_155 = tpu.matmul %get3A_1, %get3A_153, %dot_general3A_154 {dimension_numbers = #tpu.dot_dimension_numbers<[1], [0], [0], [1], [0, 0, 1, 1], [], []>, transpose_lhs_hint = false} : vector<512x256xf32>, vector<256x1024xf32>, vector<512x1024xf32> -> vector<512x1024xf32>
    %get3A_156 = arith.constant 0 : index
    %get3A_157 = arith.constant 5120 : index
    %get3A_158 = vector.load %arg4[%get3A_156, %get3A_157] : memref<1x8192xf32, #tpu.memory_space<vmem>>, vector<1x1024xf32>
    %add3A_159 = vector.broadcast %get3A_4 : vector<512x1xf32> to vector<512x1024xf32>
    %add3A_160 = vector.broadcast %get3A_158 : vector<1x1024xf32> to vector<512x1024xf32>
    %add3A_161 = arith.addf %add3A_159, %add3A_160 : vector<512x1024xf32>
    %mul3A_162 = arith.constant 2.000000e+00 : f32
    %mul3A_163 = vector.broadcast %mul3A_162 : f32 to vector<512x1024xf32>
    %mul3A_164 = arith.mulf %mul3A_163, %dot_general3A_155 : vector<512x1024xf32>
    %sub3A_165 = arith.subf %add3A_161, %mul3A_164 : vector<512x1024xf32>
    %reduce_min3A_166 = arith.constant dense<0x7F800000> : vector<512xf32>
    %reduce_min3A_167 = vector.multi_reduction <minimumf>, %sub3A_165, %reduce_min3A_166 [1] : vector<512x1024xf32> to vector<512xf32>
    %iota3A_168 = tpu.iota {dimensions = array<i32: 1>} : vector<512x1024xi32>
    %add3A_169 = arith.constant 5120 : i32
    %add3A_170 = vector.broadcast %add3A_169 : i32 to vector<512x1024xi32>
    %add3A_171 = arith.addi %iota3A_168, %add3A_170 : vector<512x1024xi32>
    %broadcast_in_dim3A_172 = vector.shape_cast %reduce_min3A_167 : vector<512xf32> to vector<512x1xf32>
    %eq3A_173 = vector.broadcast %broadcast_in_dim3A_172 : vector<512x1xf32> to vector<512x1024xf32>
    %eq3A_174 = arith.cmpf oeq, %sub3A_165, %eq3A_173 : vector<512x1024xf32>
    %jit3A_175 = arith.constant 1073741824 : i32
    %broadcast_in_dim3A_176 = vector.broadcast %jit3A_175 : i32 to vector<512x1024xi32>
    %select_n3A_177 = arith.select %eq3A_174, %add3A_171, %broadcast_in_dim3A_176 : vector<512x1024xi1>, vector<512x1024xi32>
    %reduce_min3A_178 = arith.constant dense<2147483647> : vector<512xi32>
    %reduce_min3A_179 = vector.multi_reduction <minsi>, %select_n3A_177, %reduce_min3A_178 [1] : vector<512x1024xi32> to vector<512xi32>
    %lt3A_180 = arith.cmpf olt, %reduce_min3A_167, %select_n3A_150 : vector<512xf32>
    %select_n3A_181 = arith.select %lt3A_180, %reduce_min3A_179, %select_n3A_149 : vector<512xi1>, vector<512xi32>
    %select_n3A_182 = arith.select %lt3A_180, %reduce_min3A_167, %select_n3A_150 : vector<512xi1>, vector<512xf32>
    %get3A_183 = arith.constant 0 : index
    %get3A_184 = arith.constant 6144 : index
    %get3A_185 = vector.load %arg2[%get3A_183, %get3A_184] : memref<256x8192xf32, #tpu.memory_space<vmem>>, vector<256x1024xf32>
    %dot_general3A_186 = arith.constant dense<0.000000e+00> : vector<512x1024xf32>
    %dot_general3A_187 = tpu.matmul %get3A_1, %get3A_185, %dot_general3A_186 {dimension_numbers = #tpu.dot_dimension_numbers<[1], [0], [0], [1], [0, 0, 1, 1], [], []>, transpose_lhs_hint = false} : vector<512x256xf32>, vector<256x1024xf32>, vector<512x1024xf32> -> vector<512x1024xf32>
    %get3A_188 = arith.constant 0 : index
    %get3A_189 = arith.constant 6144 : index
    %get3A_190 = vector.load %arg4[%get3A_188, %get3A_189] : memref<1x8192xf32, #tpu.memory_space<vmem>>, vector<1x1024xf32>
    %add3A_191 = vector.broadcast %get3A_4 : vector<512x1xf32> to vector<512x1024xf32>
    %add3A_192 = vector.broadcast %get3A_190 : vector<1x1024xf32> to vector<512x1024xf32>
    %add3A_193 = arith.addf %add3A_191, %add3A_192 : vector<512x1024xf32>
    %mul3A_194 = arith.constant 2.000000e+00 : f32
    %mul3A_195 = vector.broadcast %mul3A_194 : f32 to vector<512x1024xf32>
    %mul3A_196 = arith.mulf %mul3A_195, %dot_general3A_187 : vector<512x1024xf32>
    %sub3A_197 = arith.subf %add3A_193, %mul3A_196 : vector<512x1024xf32>
    %reduce_min3A_198 = arith.constant dense<0x7F800000> : vector<512xf32>
    %reduce_min3A_199 = vector.multi_reduction <minimumf>, %sub3A_197, %reduce_min3A_198 [1] : vector<512x1024xf32> to vector<512xf32>
    %iota3A_200 = tpu.iota {dimensions = array<i32: 1>} : vector<512x1024xi32>
    %add3A_201 = arith.constant 6144 : i32
    %add3A_202 = vector.broadcast %add3A_201 : i32 to vector<512x1024xi32>
    %add3A_203 = arith.addi %iota3A_200, %add3A_202 : vector<512x1024xi32>
    %broadcast_in_dim3A_204 = vector.shape_cast %reduce_min3A_199 : vector<512xf32> to vector<512x1xf32>
    %eq3A_205 = vector.broadcast %broadcast_in_dim3A_204 : vector<512x1xf32> to vector<512x1024xf32>
    %eq3A_206 = arith.cmpf oeq, %sub3A_197, %eq3A_205 : vector<512x1024xf32>
    %jit3A_207 = arith.constant 1073741824 : i32
    %broadcast_in_dim3A_208 = vector.broadcast %jit3A_207 : i32 to vector<512x1024xi32>
    %select_n3A_209 = arith.select %eq3A_206, %add3A_203, %broadcast_in_dim3A_208 : vector<512x1024xi1>, vector<512x1024xi32>
    %reduce_min3A_210 = arith.constant dense<2147483647> : vector<512xi32>
    %reduce_min3A_211 = vector.multi_reduction <minsi>, %select_n3A_209, %reduce_min3A_210 [1] : vector<512x1024xi32> to vector<512xi32>
    %lt3A_212 = arith.cmpf olt, %reduce_min3A_199, %select_n3A_182 : vector<512xf32>
    %select_n3A_213 = arith.select %lt3A_212, %reduce_min3A_211, %select_n3A_181 : vector<512xi1>, vector<512xi32>
    %select_n3A_214 = arith.select %lt3A_212, %reduce_min3A_199, %select_n3A_182 : vector<512xi1>, vector<512xf32>
    %get3A_215 = arith.constant 0 : index
    %get3A_216 = arith.constant 7168 : index
    %get3A_217 = vector.load %arg2[%get3A_215, %get3A_216] : memref<256x8192xf32, #tpu.memory_space<vmem>>, vector<256x1024xf32>
    %dot_general3A_218 = arith.constant dense<0.000000e+00> : vector<512x1024xf32>
    %dot_general3A_219 = tpu.matmul %get3A_1, %get3A_217, %dot_general3A_218 {dimension_numbers = #tpu.dot_dimension_numbers<[1], [0], [0], [1], [0, 0, 1, 1], [], []>, transpose_lhs_hint = false} : vector<512x256xf32>, vector<256x1024xf32>, vector<512x1024xf32> -> vector<512x1024xf32>
    %get3A_220 = arith.constant 0 : index
    %get3A_221 = arith.constant 7168 : index
    %get3A_222 = vector.load %arg4[%get3A_220, %get3A_221] : memref<1x8192xf32, #tpu.memory_space<vmem>>, vector<1x1024xf32>
    %add3A_223 = vector.broadcast %get3A_4 : vector<512x1xf32> to vector<512x1024xf32>
    %add3A_224 = vector.broadcast %get3A_222 : vector<1x1024xf32> to vector<512x1024xf32>
    %add3A_225 = arith.addf %add3A_223, %add3A_224 : vector<512x1024xf32>
    %mul3A_226 = arith.constant 2.000000e+00 : f32
    %mul3A_227 = vector.broadcast %mul3A_226 : f32 to vector<512x1024xf32>
    %mul3A_228 = arith.mulf %mul3A_227, %dot_general3A_219 : vector<512x1024xf32>
    %sub3A_229 = arith.subf %add3A_225, %mul3A_228 : vector<512x1024xf32>
    %reduce_min3A_230 = arith.constant dense<0x7F800000> : vector<512xf32>
    %reduce_min3A_231 = vector.multi_reduction <minimumf>, %sub3A_229, %reduce_min3A_230 [1] : vector<512x1024xf32> to vector<512xf32>
    %iota3A_232 = tpu.iota {dimensions = array<i32: 1>} : vector<512x1024xi32>
    %add3A_233 = arith.constant 7168 : i32
    %add3A_234 = vector.broadcast %add3A_233 : i32 to vector<512x1024xi32>
    %add3A_235 = arith.addi %iota3A_232, %add3A_234 : vector<512x1024xi32>
    %broadcast_in_dim3A_236 = vector.shape_cast %reduce_min3A_231 : vector<512xf32> to vector<512x1xf32>
    %eq3A_237 = vector.broadcast %broadcast_in_dim3A_236 : vector<512x1xf32> to vector<512x1024xf32>
    %eq3A_238 = arith.cmpf oeq, %sub3A_229, %eq3A_237 : vector<512x1024xf32>
    %jit3A_239 = arith.constant 1073741824 : i32
    %broadcast_in_dim3A_240 = vector.broadcast %jit3A_239 : i32 to vector<512x1024xi32>
    %select_n3A_241 = arith.select %eq3A_238, %add3A_235, %broadcast_in_dim3A_240 : vector<512x1024xi1>, vector<512x1024xi32>
    %reduce_min3A_242 = arith.constant dense<2147483647> : vector<512xi32>
    %reduce_min3A_243 = vector.multi_reduction <minsi>, %select_n3A_241, %reduce_min3A_242 [1] : vector<512x1024xi32> to vector<512xi32>
    %lt3A_244 = arith.cmpf olt, %reduce_min3A_231, %select_n3A_214 : vector<512xf32>
    %select_n3A_245 = arith.select %lt3A_244, %reduce_min3A_243, %select_n3A_213 : vector<512xi1>, vector<512xi32>
    %swap3A = arith.constant 0 : index
    %swap3A_246 = arith.constant 0 : index
    %swap3A_247 = arith.constant 0 : index
    %swap3A_248 = vector.load %arg5[%swap3A, %swap3A_246, %swap3A_247] : memref<1x1x512xi32, #tpu.memory_space<vmem>>, vector<1x1x512xi32>
    %swap3A_249 = vector.shape_cast %swap3A_248 : vector<1x1x512xi32> to vector<512xi32>
    %swap3A_250 = vector.shape_cast %select_n3A_245 : vector<512xi32> to vector<1x1x512xi32>
    tpu.vector_store %arg5[%swap3A, %swap3A_246, %swap3A_247], %swap3A_250 {strides = array<i32>} : memref<1x1x512xi32, #tpu.memory_space<vmem>>, vector<1x1x512xi32>,
    return
  }
  func.func @transform_0(%arg0: i32) -> (i32, i32) {
    %c0_i32 = arith.constant 0 : i32
    %c0_i32_0 = arith.constant 0 : i32
    return %arg0, %c0_i32 : i32, i32
  }
  func.func @transform_1(%arg0: i32) -> (i32, i32) {
    %c0_i32 = arith.constant 0 : i32
    %c0_i32_0 = arith.constant 0 : i32
    %c0_i32_1 = arith.constant 0 : i32
    return %c0_i32, %c0_i32_0 : i32, i32
  }
  func.func @transform_2(%arg0: i32) -> (i32, i32) {
    %c0_i32 = arith.constant 0 : i32
    %c0_i32_0 = arith.constant 0 : i32
    return %arg0, %c0_i32 : i32, i32
  }
  func.func @transform_3(%arg0: i32) -> (i32, i32) {
    %c0_i32 = arith.constant 0 : i32
    %c0_i32_0 = arith.constant 0 : i32
    %c0_i32_1 = arith.constant 0 : i32
    return %c0_i32, %c0_i32_0 : i32, i32
  }
  func.func @transform_4(%arg0: i32) -> (i32, i32, i32) {
    %c0_i32 = arith.constant 0 : i32
    %c0_i32_0 = arith.constant 0 : i32
    %c0_i32_1 = arith.constant 0 : i32
    return %arg0, %c0_i32, %c0_i32_0 : i32, i32, i32
  }
}

module attributes {stable_mosaic.version = 14 : i64} {
  func.func @_ma_body(%arg0: i32, %arg1: memref<512x256xf32, #tpu.memory_space<vmem>>, %arg2: memref<256x8192xf32, #tpu.memory_space<vmem>>, %arg3: memref<512x1xf32, #tpu.memory_space<vmem>>, %arg4: memref<1x8192xf32, #tpu.memory_space<vmem>>, %arg5: memref<1x1x512xi32, #tpu.memory_space<vmem>>) attributes {dimension_semantics = [#tpu.dimension_semantics<arbitrary>], iteration_bounds = array<i64: 16>, scalar_prefetch = 0 : i64, scratch_operands = 0 : i64, tpu.core_type = #tpu.core_type<tc>, window_params = [{transform_indices = @transform_0, window_bounds = array<i64: 512, 256>}, {pipeline_mode = #tpu.pipeline_mode<synchronous>, transform_indices = @transform_1, window_bounds = array<i64: 256, 8192>}, {transform_indices = @transform_2, window_bounds = array<i64: 512, 1>}, {pipeline_mode = #tpu.pipeline_mode<synchronous>, transform_indices = @transform_3, window_bounds = array<i64: 1, 8192>}, {transform_indices = @transform_4, window_bounds = array<i64: 1, 1, 512>}]} {
    %get3A = arith.constant 0 : index
    %get3A_0 = arith.constant 0 : index
    %get3A_1 = vector.load %arg1[%get3A, %get3A_0] : memref<512x256xf32, #tpu.memory_space<vmem>>, vector<512x256xf32>
    %get3A_2 = arith.constant 0 : index
    %get3A_3 = arith.constant 0 : index
    %get3A_4 = vector.load %arg3[%get3A_2, %get3A_3] : memref<512x1xf32, #tpu.memory_space<vmem>>, vector<512x1xf32>
    %get3A_5 = arith.constant 0 : index
    %get3A_6 = arith.constant 0 : index
    %get3A_7 = vector.load %arg2[%get3A_5, %get3A_6] : memref<256x8192xf32, #tpu.memory_space<vmem>>, vector<256x1024xf32>
    %dot_general3A = arith.constant dense<0.000000e+00> : vector<512x1024xf32>
    %dot_general3A_8 = tpu.matmul %get3A_1, %get3A_7, %dot_general3A {dimension_numbers = #tpu.dot_dimension_numbers<[1], [0], [0], [1], [0, 0, 1, 1], [], []>, transpose_lhs_hint = false} : vector<512x256xf32>, vector<256x1024xf32>, vector<512x1024xf32> -> vector<512x1024xf32>
    %get3A_9 = arith.constant 0 : index
    %get3A_10 = arith.constant 0 : index
    %get3A_11 = vector.load %arg4[%get3A_9, %get3A_10] : memref<1x8192xf32, #tpu.memory_space<vmem>>, vector<1x1024xf32>
    %add3A = vector.broadcast %get3A_4 : vector<512x1xf32> to vector<512x1024xf32>
    %add3A_12 = vector.broadcast %get3A_11 : vector<1x1024xf32> to vector<512x1024xf32>
    %add3A_13 = arith.addf %add3A, %add3A_12 : vector<512x1024xf32>
    %mul3A = arith.constant 2.000000e+00 : f32
    %mul3A_14 = vector.broadcast %mul3A : f32 to vector<512x1024xf32>
    %mul3A_15 = arith.mulf %mul3A_14, %dot_general3A_8 : vector<512x1024xf32>
    %sub3A = arith.subf %add3A_13, %mul3A_15 : vector<512x1024xf32>
    %reduce_min3A = arith.constant dense<0x7F800000> : vector<512xf32>
    %reduce_min3A_16 = vector.multi_reduction <minimumf>, %sub3A, %reduce_min3A [1] : vector<512x1024xf32> to vector<512xf32>
    %iota3A = tpu.iota {dimensions = array<i32: 1>} : vector<512x1024xi32>
    %add3A_17 = arith.constant 0 : i32
    %add3A_18 = vector.broadcast %add3A_17 : i32 to vector<512x1024xi32>
    %add3A_19 = arith.addi %iota3A, %add3A_18 : vector<512x1024xi32>
    %broadcast_in_dim3A = vector.shape_cast %reduce_min3A_16 : vector<512xf32> to vector<512x1xf32>
    %eq3A = vector.broadcast %broadcast_in_dim3A : vector<512x1xf32> to vector<512x1024xf32>
    %eq3A_20 = arith.cmpf oeq, %sub3A, %eq3A : vector<512x1024xf32>
    %jit3A = arith.constant 1073741824 : i32
    %broadcast_in_dim3A_21 = vector.broadcast %jit3A : i32 to vector<512x1024xi32>
    %select_n3A = arith.select %eq3A_20, %add3A_19, %broadcast_in_dim3A_21 : vector<512x1024xi1>, vector<512x1024xi32>
    %reduce_min3A_22 = arith.constant dense<2147483647> : vector<512xi32>
    %reduce_min3A_23 = vector.multi_reduction <minsi>, %select_n3A, %reduce_min3A_22 [1] : vector<512x1024xi32> to vector<512xi32>
    %get3A_24 = arith.constant 0 : index
    %get3A_25 = arith.constant 1024 : index
    %get3A_26 = vector.load %arg2[%get3A_24, %get3A_25] : memref<256x8192xf32, #tpu.memory_space<vmem>>, vector<256x1024xf32>
    %dot_general3A_27 = arith.constant dense<0.000000e+00> : vector<512x1024xf32>
    %dot_general3A_28 = tpu.matmul %get3A_1, %get3A_26, %dot_general3A_27 {dimension_numbers = #tpu.dot_dimension_numbers<[1], [0], [0], [1], [0, 0, 1, 1], [], []>, transpose_lhs_hint = false} : vector<512x256xf32>, vector<256x1024xf32>, vector<512x1024xf32> -> vector<512x1024xf32>
    %get3A_29 = arith.constant 0 : index
    %get3A_30 = arith.constant 1024 : index
    %get3A_31 = vector.load %arg4[%get3A_29, %get3A_30] : memref<1x8192xf32, #tpu.memory_space<vmem>>, vector<1x1024xf32>
    %add3A_32 = vector.broadcast %get3A_4 : vector<512x1xf32> to vector<512x1024xf32>
    %add3A_33 = vector.broadcast %get3A_31 : vector<1x1024xf32> to vector<512x1024xf32>
    %add3A_34 = arith.addf %add3A_32, %add3A_33 : vector<512x1024xf32>
    %mul3A_35 = arith.constant 2.000000e+00 : f32
    %mul3A_36 = vector.broadcast %mul3A_35 : f32 to vector<512x1024xf32>
    %mul3A_37 = arith.mulf %mul3A_36, %dot_general3A_28 : vector<512x1024xf32>
    %sub3A_38 = arith.subf %add3A_34, %mul3A_37 : vector<512x1024xf32>
    %reduce_min3A_39 = arith.constant dense<0x7F800000> : vector<512xf32>
    %reduce_min3A_40 = vector.multi_reduction <minimumf>, %sub3A_38, %reduce_min3A_39 [1] : vector<512x1024xf32> to vector<512xf32>
    %iota3A_41 = tpu.iota {dimensions = array<i32: 1>} : vector<512x1024xi32>
    %add3A_42 = arith.constant 1024 : i32
    %add3A_43 = vector.broadcast %add3A_42 : i32 to vector<512x1024xi32>
    %add3A_44 = arith.addi %iota3A_41, %add3A_43 : vector<512x1024xi32>
    %broadcast_in_dim3A_45 = vector.shape_cast %reduce_min3A_40 : vector<512xf32> to vector<512x1xf32>
    %eq3A_46 = vector.broadcast %broadcast_in_dim3A_45 : vector<512x1xf32> to vector<512x1024xf32>
    %eq3A_47 = arith.cmpf oeq, %sub3A_38, %eq3A_46 : vector<512x1024xf32>
    %jit3A_48 = arith.constant 1073741824 : i32
    %broadcast_in_dim3A_49 = vector.broadcast %jit3A_48 : i32 to vector<512x1024xi32>
    %select_n3A_50 = arith.select %eq3A_47, %add3A_44, %broadcast_in_dim3A_49 : vector<512x1024xi1>, vector<512x1024xi32>
    %reduce_min3A_51 = arith.constant dense<2147483647> : vector<512xi32>
    %reduce_min3A_52 = vector.multi_reduction <minsi>, %select_n3A_50, %reduce_min3A_51 [1] : vector<512x1024xi32> to vector<512xi32>
    %lt3A = arith.cmpf olt, %reduce_min3A_40, %reduce_min3A_16 : vector<512xf32>
    %select_n3A_53 = arith.select %lt3A, %reduce_min3A_52, %reduce_min3A_23 : vector<512xi1>, vector<512xi32>
    %select_n3A_54 = arith.select %lt3A, %reduce_min3A_40, %reduce_min3A_16 : vector<512xi1>, vector<512xf32>
    %get3A_55 = arith.constant 0 : index
    %get3A_56 = arith.constant 2048 : index
    %get3A_57 = vector.load %arg2[%get3A_55, %get3A_56] : memref<256x8192xf32, #tpu.memory_space<vmem>>, vector<256x1024xf32>
    %dot_general3A_58 = arith.constant dense<0.000000e+00> : vector<512x1024xf32>
    %dot_general3A_59 = tpu.matmul %get3A_1, %get3A_57, %dot_general3A_58 {dimension_numbers = #tpu.dot_dimension_numbers<[1], [0], [0], [1], [0, 0, 1, 1], [], []>, transpose_lhs_hint = false} : vector<512x256xf32>, vector<256x1024xf32>, vector<512x1024xf32> -> vector<512x1024xf32>
    %get3A_60 = arith.constant 0 : index
    %get3A_61 = arith.constant 2048 : index
    %get3A_62 = vector.load %arg4[%get3A_60, %get3A_61] : memref<1x8192xf32, #tpu.memory_space<vmem>>, vector<1x1024xf32>
    %add3A_63 = vector.broadcast %get3A_4 : vector<512x1xf32> to vector<512x1024xf32>
    %add3A_64 = vector.broadcast %get3A_62 : vector<1x1024xf32> to vector<512x1024xf32>
    %add3A_65 = arith.addf %add3A_63, %add3A_64 : vector<512x1024xf32>
    %mul3A_66 = arith.constant 2.000000e+00 : f32
    %mul3A_67 = vector.broadcast %mul3A_66 : f32 to vector<512x1024xf32>
    %mul3A_68 = arith.mulf %mul3A_67, %dot_general3A_59 : vector<512x1024xf32>
    %sub3A_69 = arith.subf %add3A_65, %mul3A_68 : vector<512x1024xf32>
    %reduce_min3A_70 = arith.constant dense<0x7F800000> : vector<512xf32>
    %reduce_min3A_71 = vector.multi_reduction <minimumf>, %sub3A_69, %reduce_min3A_70 [1] : vector<512x1024xf32> to vector<512xf32>
    %iota3A_72 = tpu.iota {dimensions = array<i32: 1>} : vector<512x1024xi32>
    %add3A_73 = arith.constant 2048 : i32
    %add3A_74 = vector.broadcast %add3A_73 : i32 to vector<512x1024xi32>
    %add3A_75 = arith.addi %iota3A_72, %add3A_74 : vector<512x1024xi32>
    %broadcast_in_dim3A_76 = vector.shape_cast %reduce_min3A_71 : vector<512xf32> to vector<512x1xf32>
    %eq3A_77 = vector.broadcast %broadcast_in_dim3A_76 : vector<512x1xf32> to vector<512x1024xf32>
    %eq3A_78 = arith.cmpf oeq, %sub3A_69, %eq3A_77 : vector<512x1024xf32>
    %jit3A_79 = arith.constant 1073741824 : i32
    %broadcast_in_dim3A_80 = vector.broadcast %jit3A_79 : i32 to vector<512x1024xi32>
    %select_n3A_81 = arith.select %eq3A_78, %add3A_75, %broadcast_in_dim3A_80 : vector<512x1024xi1>, vector<512x1024xi32>
    %reduce_min3A_82 = arith.constant dense<2147483647> : vector<512xi32>
    %reduce_min3A_83 = vector.multi_reduction <minsi>, %select_n3A_81, %reduce_min3A_82 [1] : vector<512x1024xi32> to vector<512xi32>
    %lt3A_84 = arith.cmpf olt, %reduce_min3A_71, %select_n3A_54 : vector<512xf32>
    %select_n3A_85 = arith.select %lt3A_84, %reduce_min3A_83, %select_n3A_53 : vector<512xi1>, vector<512xi32>
    %select_n3A_86 = arith.select %lt3A_84, %reduce_min3A_71, %select_n3A_54 : vector<512xi1>, vector<512xf32>
    %get3A_87 = arith.constant 0 : index
    %get3A_88 = arith.constant 3072 : index
    %get3A_89 = vector.load %arg2[%get3A_87, %get3A_88] : memref<256x8192xf32, #tpu.memory_space<vmem>>, vector<256x1024xf32>
    %dot_general3A_90 = arith.constant dense<0.000000e+00> : vector<512x1024xf32>
    %dot_general3A_91 = tpu.matmul %get3A_1, %get3A_89, %dot_general3A_90 {dimension_numbers = #tpu.dot_dimension_numbers<[1], [0], [0], [1], [0, 0, 1, 1], [], []>, transpose_lhs_hint = false} : vector<512x256xf32>, vector<256x1024xf32>, vector<512x1024xf32> -> vector<512x1024xf32>
    %get3A_92 = arith.constant 0 : index
    %get3A_93 = arith.constant 3072 : index
    %get3A_94 = vector.load %arg4[%get3A_92, %get3A_93] : memref<1x8192xf32, #tpu.memory_space<vmem>>, vector<1x1024xf32>
    %add3A_95 = vector.broadcast %get3A_4 : vector<512x1xf32> to vector<512x1024xf32>
    %add3A_96 = vector.broadcast %get3A_94 : vector<1x1024xf32> to vector<512x1024xf32>
    %add3A_97 = arith.addf %add3A_95, %add3A_96 : vector<512x1024xf32>
    %mul3A_98 = arith.constant 2.000000e+00 : f32
    %mul3A_99 = vector.broadcast %mul3A_98 : f32 to vector<512x1024xf32>
    %mul3A_100 = arith.mulf %mul3A_99, %dot_general3A_91 : vector<512x1024xf32>
    %sub3A_101 = arith.subf %add3A_97, %mul3A_100 : vector<512x1024xf32>
    %reduce_min3A_102 = arith.constant dense<0x7F800000> : vector<512xf32>
    %reduce_min3A_103 = vector.multi_reduction <minimumf>, %sub3A_101, %reduce_min3A_102 [1] : vector<512x1024xf32> to vector<512xf32>
    %iota3A_104 = tpu.iota {dimensions = array<i32: 1>} : vector<512x1024xi32>
    %add3A_105 = arith.constant 3072 : i32
    %add3A_106 = vector.broadcast %add3A_105 : i32 to vector<512x1024xi32>
    %add3A_107 = arith.addi %iota3A_104, %add3A_106 : vector<512x1024xi32>
    %broadcast_in_dim3A_108 = vector.shape_cast %reduce_min3A_103 : vector<512xf32> to vector<512x1xf32>
    %eq3A_109 = vector.broadcast %broadcast_in_dim3A_108 : vector<512x1xf32> to vector<512x1024xf32>
    %eq3A_110 = arith.cmpf oeq, %sub3A_101, %eq3A_109 : vector<512x1024xf32>
    %jit3A_111 = arith.constant 1073741824 : i32
    %broadcast_in_dim3A_112 = vector.broadcast %jit3A_111 : i32 to vector<512x1024xi32>
    %select_n3A_113 = arith.select %eq3A_110, %add3A_107, %broadcast_in_dim3A_112 : vector<512x1024xi1>, vector<512x1024xi32>
    %reduce_min3A_114 = arith.constant dense<2147483647> : vector<512xi32>
    %reduce_min3A_115 = vector.multi_reduction <minsi>, %select_n3A_113, %reduce_min3A_114 [1] : vector<512x1024xi32> to vector<512xi32>
    %lt3A_116 = arith.cmpf olt, %reduce_min3A_103, %select_n3A_86 : vector<512xf32>
    %select_n3A_117 = arith.select %lt3A_116, %reduce_min3A_115, %select_n3A_85 : vector<512xi1>, vector<512xi32>
    %select_n3A_118 = arith.select %lt3A_116, %reduce_min3A_103, %select_n3A_86 : vector<512xi1>, vector<512xf32>
    %get3A_119 = arith.constant 0 : index
    %get3A_120 = arith.constant 4096 : index
    %get3A_121 = vector.load %arg2[%get3A_119, %get3A_120] : memref<256x8192xf32, #tpu.memory_space<vmem>>, vector<256x1024xf32>
    %dot_general3A_122 = arith.constant dense<0.000000e+00> : vector<512x1024xf32>
    %dot_general3A_123 = tpu.matmul %get3A_1, %get3A_121, %dot_general3A_122 {dimension_numbers = #tpu.dot_dimension_numbers<[1], [0], [0], [1], [0, 0, 1, 1], [], []>, transpose_lhs_hint = false} : vector<512x256xf32>, vector<256x1024xf32>, vector<512x1024xf32> -> vector<512x1024xf32>
    %get3A_124 = arith.constant 0 : index
    %get3A_125 = arith.constant 4096 : index
    %get3A_126 = vector.load %arg4[%get3A_124, %get3A_125] : memref<1x8192xf32, #tpu.memory_space<vmem>>, vector<1x1024xf32>
    %add3A_127 = vector.broadcast %get3A_4 : vector<512x1xf32> to vector<512x1024xf32>
    %add3A_128 = vector.broadcast %get3A_126 : vector<1x1024xf32> to vector<512x1024xf32>
    %add3A_129 = arith.addf %add3A_127, %add3A_128 : vector<512x1024xf32>
    %mul3A_130 = arith.constant 2.000000e+00 : f32
    %mul3A_131 = vector.broadcast %mul3A_130 : f32 to vector<512x1024xf32>
    %mul3A_132 = arith.mulf %mul3A_131, %dot_general3A_123 : vector<512x1024xf32>
    %sub3A_133 = arith.subf %add3A_129, %mul3A_132 : vector<512x1024xf32>
    %reduce_min3A_134 = arith.constant dense<0x7F800000> : vector<512xf32>
    %reduce_min3A_135 = vector.multi_reduction <minimumf>, %sub3A_133, %reduce_min3A_134 [1] : vector<512x1024xf32> to vector<512xf32>
    %iota3A_136 = tpu.iota {dimensions = array<i32: 1>} : vector<512x1024xi32>
    %add3A_137 = arith.constant 4096 : i32
    %add3A_138 = vector.broadcast %add3A_137 : i32 to vector<512x1024xi32>
    %add3A_139 = arith.addi %iota3A_136, %add3A_138 : vector<512x1024xi32>
    %broadcast_in_dim3A_140 = vector.shape_cast %reduce_min3A_135 : vector<512xf32> to vector<512x1xf32>
    %eq3A_141 = vector.broadcast %broadcast_in_dim3A_140 : vector<512x1xf32> to vector<512x1024xf32>
    %eq3A_142 = arith.cmpf oeq, %sub3A_133, %eq3A_141 : vector<512x1024xf32>
    %jit3A_143 = arith.constant 1073741824 : i32
    %broadcast_in_dim3A_144 = vector.broadcast %jit3A_143 : i32 to vector<512x1024xi32>
    %select_n3A_145 = arith.select %eq3A_142, %add3A_139, %broadcast_in_dim3A_144 : vector<512x1024xi1>, vector<512x1024xi32>
    %reduce_min3A_146 = arith.constant dense<2147483647> : vector<512xi32>
    %reduce_min3A_147 = vector.multi_reduction <minsi>, %select_n3A_145, %reduce_min3A_146 [1] : vector<512x1024xi32> to vector<512xi32>
    %lt3A_148 = arith.cmpf olt, %reduce_min3A_135, %select_n3A_118 : vector<512xf32>
    %select_n3A_149 = arith.select %lt3A_148, %reduce_min3A_147, %select_n3A_117 : vector<512xi1>, vector<512xi32>
    %select_n3A_150 = arith.select %lt3A_148, %reduce_min3A_135, %select_n3A_118 : vector<512xi1>, vector<512xf32>
    %get3A_151 = arith.constant 0 : index
    %get3A_152 = arith.constant 5120 : index
    %get3A_153 = vector.load %arg2[%get3A_151, %get3A_152] : memref<256x8192xf32, #tpu.memory_space<vmem>>, vector<256x1024xf32>
    %dot_general3A_154 = arith.constant dense<0.000000e+00> : vector<512x1024xf32>
    %dot_general3A_155 = tpu.matmul %get3A_1, %get3A_153, %dot_general3A_154 {dimension_numbers = #tpu.dot_dimension_numbers<[1], [0], [0], [1], [0, 0, 1, 1], [], []>, transpose_lhs_hint = false} : vector<512x256xf32>, vector<256x1024xf32>, vector<512x1024xf32> -> vector<512x1024xf32>
    %get3A_156 = arith.constant 0 : index
    %get3A_157 = arith.constant 5120 : index
    %get3A_158 = vector.load %arg4[%get3A_156, %get3A_157] : memref<1x8192xf32, #tpu.memory_space<vmem>>, vector<1x1024xf32>
    %add3A_159 = vector.broadcast %get3A_4 : vector<512x1xf32> to vector<512x1024xf32>
    %add3A_160 = vector.broadcast %get3A_158 : vector<1x1024xf32> to vector<512x1024xf32>
    %add3A_161 = arith.addf %add3A_159, %add3A_160 : vector<512x1024xf32>
    %mul3A_162 = arith.constant 2.000000e+00 : f32
    %mul3A_163 = vector.broadcast %mul3A_162 : f32 to vector<512x1024xf32>
    %mul3A_164 = arith.mulf %mul3A_163, %dot_general3A_155 : vector<512x1024xf32>
    %sub3A_165 = arith.subf %add3A_161, %mul3A_164 : vector<512x1024xf32>
    %reduce_min3A_166 = arith.constant dense<0x7F800000> : vector<512xf32>
    %reduce_min3A_167 = vector.multi_reduction <minimumf>, %sub3A_165, %reduce_min3A_166 [1] : vector<512x1024xf32> to vector<512xf32>
    %iota3A_168 = tpu.iota {dimensions = array<i32: 1>} : vector<512x1024xi32>
    %add3A_169 = arith.constant 5120 : i32
    %add3A_170 = vector.broadcast %add3A_169 : i32 to vector<512x1024xi32>
    %add3A_171 = arith.addi %iota3A_168, %add3A_170 : vector<512x1024xi32>
    %broadcast_in_dim3A_172 = vector.shape_cast %reduce_min3A_167 : vector<512xf32> to vector<512x1xf32>
    %eq3A_173 = vector.broadcast %broadcast_in_dim3A_172 : vector<512x1xf32> to vector<512x1024xf32>
    %eq3A_174 = arith.cmpf oeq, %sub3A_165, %eq3A_173 : vector<512x1024xf32>
    %jit3A_175 = arith.constant 1073741824 : i32
    %broadcast_in_dim3A_176 = vector.broadcast %jit3A_175 : i32 to vector<512x1024xi32>
    %select_n3A_177 = arith.select %eq3A_174, %add3A_171, %broadcast_in_dim3A_176 : vector<512x1024xi1>, vector<512x1024xi32>
    %reduce_min3A_178 = arith.constant dense<2147483647> : vector<512xi32>
    %reduce_min3A_179 = vector.multi_reduction <minsi>, %select_n3A_177, %reduce_min3A_178 [1] : vector<512x1024xi32> to vector<512xi32>
    %lt3A_180 = arith.cmpf olt, %reduce_min3A_167, %select_n3A_150 : vector<512xf32>
    %select_n3A_181 = arith.select %lt3A_180, %reduce_min3A_179, %select_n3A_149 : vector<512xi1>, vector<512xi32>
    %select_n3A_182 = arith.select %lt3A_180, %reduce_min3A_167, %select_n3A_150 : vector<512xi1>, vector<512xf32>
    %get3A_183 = arith.constant 0 : index
    %get3A_184 = arith.constant 6144 : index
    %get3A_185 = vector.load %arg2[%get3A_183, %get3A_184] : memref<256x8192xf32, #tpu.memory_space<vmem>>, vector<256x1024xf32>
    %dot_general3A_186 = arith.constant dense<0.000000e+00> : vector<512x1024xf32>
    %dot_general3A_187 = tpu.matmul %get3A_1, %get3A_185, %dot_general3A_186 {dimension_numbers = #tpu.dot_dimension_numbers<[1], [0], [0], [1], [0, 0, 1, 1], [], []>, transpose_lhs_hint = false} : vector<512x256xf32>, vector<256x1024xf32>, vector<512x1024xf32> -> vector<512x1024xf32>
    %get3A_188 = arith.constant 0 : index
    %get3A_189 = arith.constant 6144 : index
    %get3A_190 = vector.load %arg4[%get3A_188, %get3A_189] : memref<1x8192xf32, #tpu.memory_space<vmem>>, vector<1x1024xf32>
    %add3A_191 = vector.broadcast %get3A_4 : vector<512x1xf32> to vector<512x1024xf32>
    %add3A_192 = vector.broadcast %get3A_190 : vector<1x1024xf32> to vector<512x1024xf32>
    %add3A_193 = arith.addf %add3A_191, %add3A_192 : vector<512x1024xf32>
    %mul3A_194 = arith.constant 2.000000e+00 : f32
    %mul3A_195 = vector.broadcast %mul3A_194 : f32 to vector<512x1024xf32>
    %mul3A_196 = arith.mulf %mul3A_195, %dot_general3A_187 : vector<512x1024xf32>
    %sub3A_197 = arith.subf %add3A_193, %mul3A_196 : vector<512x1024xf32>
    %reduce_min3A_198 = arith.constant dense<0x7F800000> : vector<512xf32>
    %reduce_min3A_199 = vector.multi_reduction <minimumf>, %sub3A_197, %reduce_min3A_198 [1] : vector<512x1024xf32> to vector<512xf32>
    %iota3A_200 = tpu.iota {dimensions = array<i32: 1>} : vector<512x1024xi32>
    %add3A_201 = arith.constant 6144 : i32
    %add3A_202 = vector.broadcast %add3A_201 : i32 to vector<512x1024xi32>
    %add3A_203 = arith.addi %iota3A_200, %add3A_202 : vector<512x1024xi32>
    %broadcast_in_dim3A_204 = vector.shape_cast %reduce_min3A_199 : vector<512xf32> to vector<512x1xf32>
    %eq3A_205 = vector.broadcast %broadcast_in_dim3A_204 : vector<512x1xf32> to vector<512x1024xf32>
    %eq3A_206 = arith.cmpf oeq, %sub3A_197, %eq3A_205 : vector<512x1024xf32>
    %jit3A_207 = arith.constant 1073741824 : i32
    %broadcast_in_dim3A_208 = vector.broadcast %jit3A_207 : i32 to vector<512x1024xi32>
    %select_n3A_209 = arith.select %eq3A_206, %add3A_203, %broadcast_in_dim3A_208 : vector<512x1024xi1>, vector<512x1024xi32>
    %reduce_min3A_210 = arith.constant dense<2147483647> : vector<512xi32>
    %reduce_min3A_211 = vector.multi_reduction <minsi>, %select_n3A_209, %reduce_min3A_210 [1] : vector<512x1024xi32> to vector<512xi32>
    %lt3A_212 = arith.cmpf olt, %reduce_min3A_199, %select_n3A_182 : vector<512xf32>
    %select_n3A_213 = arith.select %lt3A_212, %reduce_min3A_211, %select_n3A_181 : vector<512xi1>, vector<512xi32>
    %select_n3A_214 = arith.select %lt3A_212, %reduce_min3A_199, %select_n3A_182 : vector<512xi1>, vector<512xf32>
    %get3A_215 = arith.constant 0 : index
    %get3A_216 = arith.constant 7168 : index
    %get3A_217 = vector.load %arg2[%get3A_215, %get3A_216] : memref<256x8192xf32, #tpu.memory_space<vmem>>, vector<256x1024xf32>
    %dot_general3A_218 = arith.constant dense<0.000000e+00> : vector<512x1024xf32>
    %dot_general3A_219 = tpu.matmul %get3A_1, %get3A_217, %dot_general3A_218 {dimension_numbers = #tpu.dot_dimension_numbers<[1], [0], [0], [1], [0, 0, 1, 1], [], []>, transpose_lhs_hint = false} : vector<512x256xf32>, vector<256x1024xf32>, vector<512x1024xf32> -> vector<512x1024xf32>
    %get3A_220 = arith.constant 0 : index
    %get3A_221 = arith.constant 7168 : index
    %get3A_222 = vector.load %arg4[%get3A_220, %get3A_221] : memref<1x8192xf32, #tpu.memory_space<vmem>>, vector<1x1024xf32>
    %add3A_223 = vector.broadcast %get3A_4 : vector<512x1xf32> to vector<512x1024xf32>
    %add3A_224 = vector.broadcast %get3A_222 : vector<1x1024xf32> to vector<512x1024xf32>
    %add3A_225 = arith.addf %add3A_223, %add3A_224 : vector<512x1024xf32>
    %mul3A_226 = arith.constant 2.000000e+00 : f32
    %mul3A_227 = vector.broadcast %mul3A_226 : f32 to vector<512x1024xf32>
    %mul3A_228 = arith.mulf %mul3A_227, %dot_general3A_219 : vector<512x1024xf32>
    %sub3A_229 = arith.subf %add3A_225, %mul3A_228 : vector<512x1024xf32>
    %reduce_min3A_230 = arith.constant dense<0x7F800000> : vector<512xf32>
    %reduce_min3A_231 = vector.multi_reduction <minimumf>, %sub3A_229, %reduce_min3A_230 [1] : vector<512x1024xf32> to vector<512xf32>
    %iota3A_232 = tpu.iota {dimensions = array<i32: 1>} : vector<512x1024xi32>
    %add3A_233 = arith.constant 7168 : i32
    %add3A_234 = vector.broadcast %add3A_233 : i32 to vector<512x1024xi32>
    %add3A_235 = arith.addi %iota3A_232, %add3A_234 : vector<512x1024xi32>
    %broadcast_in_dim3A_236 = vector.shape_cast %reduce_min3A_231 : vector<512xf32> to vector<512x1xf32>
    %eq3A_237 = vector.broadcast %broadcast_in_dim3A_236 : vector<512x1xf32> to vector<512x1024xf32>
    %eq3A_238 = arith.cmpf oeq, %sub3A_229, %eq3A_237 : vector<512x1024xf32>
    %jit3A_239 = arith.constant 1073741824 : i32
    %broadcast_in_dim3A_240 = vector.broadcast %jit3A_239 : i32 to vector<512x1024xi32>
    %select_n3A_241 = arith.select %eq3A_238, %add3A_235, %broadcast_in_dim3A_240 : vector<512x1024xi1>, vector<512x1024xi32>
    %reduce_min3A_242 = arith.constant dense<2147483647> : vector<512xi32>
    %reduce_min3A_243 = vector.multi_reduction <minsi>, %select_n3A_241, %reduce_min3A_242 [1] : vector<512x1024xi32> to vector<512xi32>
    %lt3A_244 = arith.cmpf olt, %reduce_min3A_231, %select_n3A_214 : vector<512xf32>
    %select_n3A_245 = arith.select %lt3A_244, %reduce_min3A_243, %select_n3A_213 : vector<512xi1>, vector<512xi32>
    %swap3A = arith.constant 0 : index
    %swap3A_246 = arith.constant 0 : index
    %swap3A_247 = arith.constant 0 : index
    %swap3A_248 = vector.load %arg5[%swap3A, %swap3A_246, %swap3A_247] : memref<1x1x512xi32, #tpu.memory_space<vmem>>, vector<1x1x512xi32>
    %swap3A_249 = vector.shape_cast %swap3A_248 : vector<1x1x512xi32> to vector<512xi32>
    %swap3A_250 = vector.shape_cast %select_n3A_245 : vector<512xi32> to vector<1x1x512xi32>
    tpu.vector_store %arg5[%swap3A, %swap3A_246, %swap3A_247], %swap3A_250 {strides = array<i32>} : memref<1x1x512xi32, #tpu.memory_space<vmem>>, vector<1x1x512xi32>,
    return
  }
  func.func @transform_0(%arg0: i32) -> (i32, i32) {
    %c0_i32 = arith.constant 0 : i32
    %c0_i32_0 = arith.constant 0 : i32
    return %arg0, %c0_i32 : i32, i32
  }
  func.func @transform_1(%arg0: i32) -> (i32, i32) {
    %c0_i32 = arith.constant 0 : i32
    %c0_i32_0 = arith.constant 0 : i32
    %c0_i32_1 = arith.constant 0 : i32
    return %c0_i32, %c0_i32_0 : i32, i32
  }
  func.func @transform_2(%arg0: i32) -> (i32, i32) {
    %c0_i32 = arith.constant 0 : i32
    %c0_i32_0 = arith.constant 0 : i32
    return %arg0, %c0_i32 : i32, i32
  }
  func.func @transform_3(%arg0: i32) -> (i32, i32) {
    %c0_i32 = arith.constant 0 : i32
    %c0_i32_0 = arith.constant 0 : i32
    %c0_i32_1 = arith.constant 0 : i32
    return %c0_i32, %c0_i32_0 : i32, i32
  }
  func.func @transform_4(%arg0: i32) -> (i32, i32, i32) {
    %c0_i32 = arith.constant 0 : i32
    %c0_i32_0 = arith.constant 0 : i32
    %c0_i32_1 = arith.constant 0 : i32
    return %arg0, %c0_i32, %c0_i32_0 : i32, i32, i32
  }
}

module attributes {stable_mosaic.version = 14 : i64} {
  func.func @_combine_body(%arg0: memref<8192x256xf32, #tpu.memory_space<vmem>>, %arg1: memref<32x256xf32, #tpu.memory_space<vmem>>, %arg2: memref<512x256xf32, #tpu.memory_space<vmem>>, %arg3: memref<8192x256xf32, #tpu.memory_space<vmem>>, %arg4: memref<8192x256xf32, #tpu.memory_space<vmem>>, %arg5: memref<1x1xf32, #tpu.memory_space<vmem>>) attributes {dimension_semantics = [], scalar_prefetch = 0 : i64, scratch_operands = 0 : i64, tpu.core_type = #tpu.core_type<tc>} {
    %get3A = arith.constant 0 : index
    %get3A_0 = arith.constant 0 : index
    %get3A_1 = vector.load %arg0[%get3A, %get3A_0] : memref<8192x256xf32, #tpu.memory_space<vmem>>, vector<8192x256xf32>
    %get3A_2 = arith.constant 0 : index
    %get3A_3 = arith.constant 0 : index
    %get3A_4 = vector.load %arg3[%get3A_2, %get3A_3] : memref<8192x256xf32, #tpu.memory_space<vmem>>, vector<8192x256xf32>
    %get3A_5 = arith.constant 0 : index
    %get3A_6 = arith.constant 0 : index
    %get3A_7 = vector.load %arg1[%get3A_5, %get3A_6] : memref<32x256xf32, #tpu.memory_space<vmem>>, vector<32x256xf32>
    %div3A = arith.constant 3.000000e+00 : f32
    %div3A_8 = vector.broadcast %div3A : f32 to vector<32x256xf32>
    %div3A_9 = arith.divf %get3A_7, %div3A_8 : vector<32x256xf32>
    %get3A_10 = arith.constant 0 : index
    %get3A_11 = arith.constant 0 : index
    %get3A_12 = vector.load %arg2[%get3A_10, %get3A_11] : memref<512x256xf32, #tpu.memory_space<vmem>>, vector<32x256xf32>
    %div3A_13 = arith.constant 3.000000e+00 : f32
    %div3A_14 = vector.broadcast %div3A_13 : f32 to vector<32x256xf32>
    %div3A_15 = arith.divf %get3A_12, %div3A_14 : vector<32x256xf32>
    %get3A_16 = arith.constant 32 : index
    %get3A_17 = arith.constant 0 : index
    %get3A_18 = vector.load %arg2[%get3A_16, %get3A_17] : memref<512x256xf32, #tpu.memory_space<vmem>>, vector<480x256xf32>
    %div3A_19 = arith.constant 2.000000e+00 : f32
    %div3A_20 = vector.broadcast %div3A_19 : f32 to vector<480x256xf32>
    %div3A_21 = arith.divf %get3A_18, %div3A_20 : vector<480x256xf32>
    %add3A = arith.addf %div3A_9, %div3A_15 : vector<32x256xf32>
    %slice3A = vector.extract_strided_slice %get3A_4 {offsets = [0, 0], sizes = [32, 256], strides = [1, 1]} : vector<8192x256xf32> to vector<32x256xf32>
    %div3A_22 = arith.constant 3.000000e+00 : f32
    %div3A_23 = vector.broadcast %div3A_22 : f32 to vector<32x256xf32>
    %div3A_24 = arith.divf %slice3A, %div3A_23 : vector<32x256xf32>
    %add3A_25 = arith.addf %add3A, %div3A_24 : vector<32x256xf32>
    %slice3A_26 = vector.extract_strided_slice %get3A_4 {offsets = [32, 0], sizes = [480, 256], strides = [1, 1]} : vector<8192x256xf32> to vector<480x256xf32>
    %div3A_27 = arith.constant 2.000000e+00 : f32
    %div3A_28 = vector.broadcast %div3A_27 : f32 to vector<480x256xf32>
    %div3A_29 = arith.divf %slice3A_26, %div3A_28 : vector<480x256xf32>
    %add3A_30 = arith.addf %div3A_21, %div3A_29 : vector<480x256xf32>
    %slice3A_31 = vector.extract_strided_slice %get3A_4 {offsets = [512, 0], sizes = [7680, 256], strides = [1, 1]} : vector<8192x256xf32> to vector<7680x256xf32>
    %div3A_32 = arith.constant 1.000000e+00 : f32
    %div3A_33 = vector.broadcast %div3A_32 : f32 to vector<7680x256xf32>
    %div3A_34 = arith.divf %slice3A_31, %div3A_33 : vector<7680x256xf32>
    %concatenate3A = tpu.concatenate %add3A_25, %add3A_30, %div3A_34 in 0 : vector<32x256xf32>, vector<480x256xf32>, vector<7680x256xf32> -> vector<8192x256xf32>
    %slice3A_35 = vector.extract_strided_slice %get3A_1 {offsets = [0, 0], sizes = [32, 256], strides = [1, 1]} : vector<8192x256xf32> to vector<32x256xf32>
    %sub3A = arith.subf %div3A_9, %slice3A_35 : vector<32x256xf32>
    %integer_pow3A = arith.mulf %sub3A, %sub3A : vector<32x256xf32>
    %reduce_sum3A = vector.shape_cast %integer_pow3A : vector<32x256xf32> to vector<1x32x256xf32>
    %reduce_sum3A_36 = arith.constant dense<0.000000e+00> : vector<1xf32>
    %reduce_sum3A_37 = vector.multi_reduction <add>, %reduce_sum3A, %reduce_sum3A_36 [1, 2] : vector<1x32x256xf32> to vector<1xf32>
    %reduce_sum3A_38 = vector.shape_cast %reduce_sum3A_37 : vector<1xf32> to vector<1x1x1xf32>
    %reduce_sum3A_39 = vector.extract %reduce_sum3A_38[0, 0, 0] : f32 from vector<1x1x1xf32>
    %add3A_40 = arith.addf %div3A_9, %div3A_15 : vector<32x256xf32>
    %slice3A_41 = vector.extract_strided_slice %get3A_1 {offsets = [0, 0], sizes = [32, 256], strides = [1, 1]} : vector<8192x256xf32> to vector<32x256xf32>
    %sub3A_42 = arith.subf %add3A_40, %slice3A_41 : vector<32x256xf32>
    %integer_pow3A_43 = arith.mulf %sub3A_42, %sub3A_42 : vector<32x256xf32>
    %reduce_sum3A_44 = vector.shape_cast %integer_pow3A_43 : vector<32x256xf32> to vector<1x32x256xf32>
    %reduce_sum3A_45 = arith.constant dense<0.000000e+00> : vector<1xf32>
    %reduce_sum3A_46 = vector.multi_reduction <add>, %reduce_sum3A_44, %reduce_sum3A_45 [1, 2] : vector<1x32x256xf32> to vector<1xf32>
    %reduce_sum3A_47 = vector.shape_cast %reduce_sum3A_46 : vector<1xf32> to vector<1x1x1xf32>
    %reduce_sum3A_48 = vector.extract %reduce_sum3A_47[0, 0, 0] : f32 from vector<1x1x1xf32>
    %slice3A_49 = vector.extract_strided_slice %get3A_1 {offsets = [32, 0], sizes = [480, 256], strides = [1, 1]} : vector<8192x256xf32> to vector<480x256xf32>
    %sub3A_50 = arith.subf %div3A_21, %slice3A_49 : vector<480x256xf32>
    %integer_pow3A_51 = arith.mulf %sub3A_50, %sub3A_50 : vector<480x256xf32>
    %reduce_sum3A_52 = vector.shape_cast %integer_pow3A_51 : vector<480x256xf32> to vector<1x480x256xf32>
    %reduce_sum3A_53 = arith.constant dense<0.000000e+00> : vector<1xf32>
    %reduce_sum3A_54 = vector.multi_reduction <add>, %reduce_sum3A_52, %reduce_sum3A_53 [1, 2] : vector<1x480x256xf32> to vector<1xf32>
    %reduce_sum3A_55 = vector.shape_cast %reduce_sum3A_54 : vector<1xf32> to vector<1x1x1xf32>
    %reduce_sum3A_56 = vector.extract %reduce_sum3A_55[0, 0, 0] : f32 from vector<1x1x1xf32>
    %add3A_57 = arith.addf %reduce_sum3A_48, %reduce_sum3A_56 : f32
    %sub3A_58 = arith.subf %concatenate3A, %get3A_1 : vector<8192x256xf32>
    %integer_pow3A_59 = arith.mulf %sub3A_58, %sub3A_58 : vector<8192x256xf32>
    %reduce_sum3A_60 = vector.shape_cast %integer_pow3A_59 : vector<8192x256xf32> to vector<1x8192x256xf32>
    %reduce_sum3A_61 = arith.constant dense<0.000000e+00> : vector<1xf32>
    %reduce_sum3A_62 = vector.multi_reduction <add>, %reduce_sum3A_60, %reduce_sum3A_61 [1, 2] : vector<1x8192x256xf32> to vector<1xf32>
    %reduce_sum3A_63 = vector.shape_cast %reduce_sum3A_62 : vector<1xf32> to vector<1x1x1xf32>
    %reduce_sum3A_64 = vector.extract %reduce_sum3A_63[0, 0, 0] : f32 from vector<1x1x1xf32>
    %add3A_65 = arith.addf %reduce_sum3A_39, %add3A_57 : f32
    %add3A_66 = arith.addf %add3A_65, %reduce_sum3A_64 : f32
    %div3A_67 = arith.constant 0x4A000000 : f32
    %div3A_68 = arith.divf %add3A_66, %div3A_67 : f32
    %reshape3A = vector.broadcast %div3A_68 : f32 to vector<1x1xf32>
    %swap3A = arith.constant 0 : index
    %swap3A_69 = arith.constant 0 : index
    %swap3A_70 = vector.load %arg5[%swap3A, %swap3A_69] : memref<1x1xf32, #tpu.memory_space<vmem>>, vector<1x1xf32>
    tpu.vector_store %arg5[%swap3A, %swap3A_69], %reshape3A {strides = array<i32>} : memref<1x1xf32, #tpu.memory_space<vmem>>, vector<1x1xf32>,
    %sub3A_71 = arith.subf %concatenate3A, %get3A_1 : vector<8192x256xf32>
    %add3A_72 = arith.addf %get3A_1, %sub3A_71 : vector<8192x256xf32>
    %swap3A_73 = arith.constant 0 : index
    %swap3A_74 = arith.constant 0 : index
    %swap3A_75 = vector.load %arg4[%swap3A_73, %swap3A_74] : memref<8192x256xf32, #tpu.memory_space<vmem>>, vector<8192x256xf32>
    tpu.vector_store %arg4[%swap3A_73, %swap3A_74], %add3A_72 {strides = array<i32>} : memref<8192x256xf32, #tpu.memory_space<vmem>>, vector<8192x256xf32>,
    return
  }
}

</mosaic_0001>

<sc_bundles>
// kernel: gather_offload_async_start.1
scs
__scs_entry_jumppad:
0x0: {  	(pc) =	sbr.rel $0x88, $3  }
0x1: {  	(tag) =	ssettag $0x0;
	lr =	simm.s32 $0x1  }
0x2: {  	[smem:$0x3F9F] =	sst lr;
	_ =	strace $0xD0000000  }
0x3: {  	_ = 	snop  }
0x4: {  	_ = 	snop  }
0x5: {  	_ = 	snop  }
0x6: {  	_ = 	snop  }
0x7: {  	_ = 	snop  }
__scs_overlays_trampoline_lowered:
0x8: {  	[smem:$0x3FAE] =	sst s0  }
0x9: {  	[smem:$0x3FAF] =	sst s1  }
0xa: {  	[smem:$0x3FB0] =	sst s2  }
0xb: {  	[smem:$0x3FB1] =	sst s3  }
0xc: {  	[smem:$0x3FB2] =	sst s4  }
0xd: {  	[smem:$0x3FB3] =	sst s5  }
0xe: {  	[smem:$0x3FB4] =	sst s6  }
0xf: {  	[smem:$0x3FB5] =	sst s7  }
0x10: {  	[smem:$0x3FB6] =	sst s8  }
0x11: {  	[smem:$0x3FB7] =	sst s9;
	s0 =	simm.s32 @!p0 $0x0  }
0x12: {  	s1 =	sld [smem:$0x3F9D];
	s0 =	simm.s32 @p0 $0x1  }
0x13: {  	[smem:$0x3FB8] =	sst s0;
	s0 =	simm.s32 @!p1 $0x0  }
0x14: {  	s2 =	sld [smem:$0x3F9C];
	s0 =	simm.s32 @p1 $0x1  }
0x15: {  	[smem:$0x3FB9] =	sst s0;
	s0 =	simm.s32 @!p2 $0x0  }
0x16: {  	s3 =	sld [smem:$0x3FDB];
	s0 =	simm.s32 @p2 $0x1  }
0x17: {  	s4 =	simm.s32 $0x1BF5;
	[smem:$0x3FBB] =	sst s0  }
0x18: {  	s0 =	sld [smem:$0x3F9E];
	_ =	swait.ge [sflag:s4], $0x0  }
0x19: {  	s7 =	sld [smem:$0x3F9F]  }
0x1a: {  	s8 =	sadd.s32 $0xFFFFE003, lr  }
0x1b: {  	s9 =	sadd.s32 $0xFFFFFEF7, lr;
	s5 =	simm.s32 $0xFFFFFFFF;
	p2 =	slt.u32 s8, $0xFFFFF086  }
0x1c: {  	p1 =	slt.u32 s9, $0xF7A;
	s5 =	simm.s32 @!p2 $0x0  }
0x1d: {  	s5 =	simm.s32 @p1 $0x1;
	p0 =	seq.s32 s7, s2  }
0x1e: {  	s7 =	smul.u32 @!p0 $0xF7A, s2;
	p2 =	seq.s32 @!p0 s5, $0x0  }
0x1f: {  	s9 =	smul.u32 $0xF7A, s1;
	s8 =	simm.s32 @!p0 $0x1BF5;
	p2 =	por !p2, p0  }
0x20: {  	[sflag:s8] =	ssyncset.s32 @!p0 $0xFFFFF086;
	s6 =	sadd.s32 @!p0 s3, s7;
	s7 =	simm.s32 @!p0 $0x108  }
0x21: {  	s3 =	sadd.s32 s3, s9;
	s6 =	sadd.s32 @!p0 $0x88, s6;
	s7 =	simm.s32 @p2 $0x1082  }
0x22: {  	[simem:s7], [sflag:s8] =	dma.local @!p0 [hbm:s6], $0xF7A  }
0x23: {  	s9 =	sor.u32 $0xD0000000, s2;
	s6 =	simm.s32 $0x108;
	_ =	swait.ge @!p0 [sflag:s8], $0x0  }
0x24: {  	s3 =	sadd.s32 $0x88, s3;
	s6 =	simm.s32 @!p1 $0x1082;
	[sflag:s4] =	ssyncset.s32 $0xFFFFF086  }
0x25: {  	[simem:s6], [sflag:s4] =	dma.local [hbm:s3], $0xF7A  }
0x26: {  	[smem:$0x3F9F] =	sst s1;
	(tag) =	ssettag s2;
	_ =	strace s9  }
0x27: {  	s1 =	sld [smem:$0x3FAF]  }
0x28: {  	s2 =	sld [smem:$0x3FB0]  }
0x29: {  	s4 =	sld [smem:$0x3FB2]  }
0x2a: {  	p0 =	seq.s32 s5, $0x0;
	s5 =	sld [smem:$0x3FB3]  }
0x2b: {  	s6 =	sld [smem:$0x3FB4]  }
0x2c: {  	s7 =	sld [smem:$0x3FB5]  }
0x2d: {  	s3 =	simm.s32 $0x108;
	s8 =	sld [smem:$0x3FB6]  }
0x2e: {  	s3 =	simm.s32 @!p0 $0x1082;
	s9 =	sld [smem:$0x3FB7]  }
0x2f: {  	lr =	sadd.s32 s0, s3;
	s0 =	sld [smem:$0x3FAE]  }
0x30: {  	s3 =	sld [smem:$0x3FB1]  }
0x31: {  	[smem:$0x3FBA] =	sst s10  }
0x32: {  	s10 =	sld [smem:$0x3FB8];
	_ =	sdelay $0x3  }
0x33: {  	p0 =	seq.s32 s10, $0x1;
	s10 =	sld [smem:$0x3FBA];
	_ =	sdelay $0x3  }
0x34: {  	[smem:$0x3FBA] =	sst s10  }
0x35: {  	s10 =	sld [smem:$0x3FB9];
	_ =	sdelay $0x3  }
0x36: {  	p1 =	seq.s32 s10, $0x1;
	s10 =	sld [smem:$0x3FBA];
	_ =	sdelay $0x3  }
0x37: {  	[smem:$0x3FBA] =	sst s10  }
0x38: {  	s10 =	sld [smem:$0x3FBB]  }
0x39: {  	_ = 	snop;
	(pc) =	sbr.ind lr, $3  }
0x3a: {  	_ = 	snop  }
0x3b: {  	_ = 	snop  }
0x3c: {  	p2 =	seq.s32 s10, $0x1;
	s10 =	sld [smem:$0x3FBA]  }
0x3d: {  	_ =	shalt  }
0x3e: {  	_ =	shalt  }
0x3f: {  	_ =	shalt  }
0x40: {  	_ =	shalt  }
0x41: {  	_ =	shalt  }
0x42: {  	_ =	shalt  }
0x43: {  	_ =	shalt  }
0x44: {  	_ =	shalt  }
0x45: {  	_ =	shalt  }
0x46: {  	_ =	shalt  }
0x47: {  	_ =	shalt  }
0x48: {  	_ =	shalt  }
0x49: {  	_ =	shalt  }
0x4a: {  	_ =	shalt  }
0x4b: {  	_ =	shalt  }
0x4c: {  	_ =	shalt  }
0x4d: {  	_ =	shalt  }
0x4e: {  	_ =	shalt  }
0x4f: {  	_ =	shalt  }
0x50: {  	_ =	shalt  }
0x51: {  	_ =	shalt  }
0x52: {  	_ =	shalt  }
0x53: {  	_ =	shalt  }
0x54: {  	_ =	shalt  }
0x55: {  	_ =	shalt  }
0x56: {  	_ =	shalt  }
0x57: {  	_ =	shalt  }
0x58: {  	_ =	shalt  }
0x59: {  	_ =	shalt  }
0x5a: {  	_ =	shalt  }
0x5b: {  	_ =	shalt  }
0x5c: {  	_ =	shalt  }
0x5d: {  	_ =	shalt  }
0x5e: {  	_ =	shalt  }
0x5f: {  	_ =	shalt  }
0x60: {  	_ =	shalt  }
0x61: {  	_ =	shalt  }
0x62: {  	_ =	shalt  }
0x63: {  	_ =	shalt  }
0x64: {  	_ =	shalt  }
0x65: {  	_ =	shalt  }
0x66: {  	_ =	shalt  }
0x67: {  	_ =	shalt  }
0x68: {  	_ =	shalt  }
0x69: {  	_ =	shalt  }
0x6a: {  	_ =	shalt  }
0x6b: {  	_ =	shalt  }
0x6c: {  	_ =	shalt  }
0x6d: {  	_ =	shalt  }
0x6e: {  	_ =	shalt  }
0x6f: {  	_ =	shalt  }
0x70: {  	_ =	shalt  }
0x71: {  	_ =	shalt  }
0x72: {  	_ =	shalt  }
0x73: {  	_ =	shalt  }
0x74: {  	_ =	shalt  }
0x75: {  	_ =	shalt  }
0x76: {  	_ =	shalt  }
0x77: {  	_ =	shalt  }
0x78: {  	_ =	shalt  }
0x79: {  	_ =	shalt  }
0x7a: {  	_ =	shalt  }
0x7b: {  	_ =	shalt  }
0x7c: {  	_ =	shalt  }
0x7d: {  	_ =	shalt  }
0x7e: {  	_ =	shalt  }
0x7f: {  	_ =	shalt  }
0x80: {  	_ =	shalt  }
0x81: {  	_ =	shalt  }
0x82: {  	_ =	shalt  }
0x83: {  	_ =	shalt  }
0x84: {  	_ =	shalt  }
0x85: {  	_ =	shalt  }
0x86: {  	_ =	shalt  }
0x87: {  	_ =	shalt  }
.Lfunc_end0:
.L_simem_size_0:
called_computation.1_lowered:
.L_overlay_start_0:
0x88: {  	s2 =	sld [smem:$0x3FD9]  }
0x89: {  	s3 =	sld [smem:$0x3FFE];
	_ =	sdelay $0x1  }
0x8a: {  	s1 =	srdreg.scid  }
0x8b: {  	s0 =	sand.u32 $0x1, s1  }
0x8c: {  	s14 =	sshll.u32 s0, $0xA;
	s2 =	sadd.s32 s3, s2  }
0x8d: {  	s2 =	sadd.s32 s2, s14  }
0x8e: {  	[smem:$0x3FC6] =	sst s2  }
0x8f: {  	_ = 	snop  }
0x90: {  	s2 =	sld [smem:$0x3FD0];
	_ =	sdelay $0x2  }
0x91: {  	s15 =	simm.s32 $0xB;
	s4 =	simm.s32 $0x10  }
0x92: {  	[smem:s4], [sflag:s15] =	dma.local [hbm:s2], $0x1  }
0x93: {  	_ =	swait.eq [sflag:s15], $0x1  }
0x94: {  	[sflag:s15] =	ssyncset.done $0x0  }
0x95: {  	[sflag:s15] =	ssyncadd.s32 $0xFFFFFFFF  }
0x96: {  	s16 =	sld [smem:$0x13];
	(tm) =	ssettm $0x1  }
0x97: {  	s17 =	sld [smem:$0x3FFB];
	_ =	sdelay $0x3  }
0x98: {  	_ =	strace s17  }
0x99: {  	s3 =	sld [smem:$0x3FFC];
	_ =	sdelay $0x3  }
0x9a: {  	_ =	strace s3  }
0x9b: {  	s3 =	sld [smem:$0x3FFD];
	_ =	sdelay $0x3  }
0x9c: {  	_ =	strace s3  }
0x9d: {  	_ =	strace $0x8FFFFFFF  }
0x9e: {  	s18 =	sld [smem:$0x3FDB];
	_ =	sdelay $0x1  }
0x9f: {  	s19 =	simm.s32 $_scs_section_size  }
0xa0: {  	s5 =	simm.s32 $_size__tile_overlayer_lowered;
	s6 =	simm.s32 $_tile_overlayer_lowered  }
0xa1: {  	s22 =	simm.s32 $0x1BFF;
	s21 =	sshll.u32 s6, $0x1;
	s3 =	sadd.s32 s19, s18  }
0xa2: {  	s7 =	simm.s32 $0x0;
	s20 =	sshll.u32 s5, $0x1;
	s5 =	sadd.s32 s21, s3  }
0xa3: {  	[timem:s7], [sflag:s22] =	dma.local [hbm:s5], s20  }
0xa4: {  	_ =	swait.ge [sflag:s22], s20  }
0xa5: {  	s4 =	ssub.s32 $0x0, s20;
	[sflag:s22] =	ssyncset.done $0x0  }
0xa6: {  	[sflag:s22] =	ssyncadd.s32 s4;
	_ =	sdelay $0x1  }
0xa7: {  	s23 =	simm.s32 $0x1B8B  }
0xa8: {  	_ =	swait.ge [sflag:s23], $0x1  }
0xa9: {  	[sflag:s23] =	ssyncset.done $0x0  }
0xaa: {  	s25 =	simm.s32 $0x1B8E;
	s24 =	sld [smem:$0x3FFE];
	[sflag:s23] =	ssyncadd.s32 $0xFFFFFFFF  }
0xab: {  	s26 =	simm.s32 $execute0_lowered;
	[smem:$0x3FD2] =	sst s25  }
0xac: {  	s5 =	sshll.u32 s26, $0x1;
	_ =	strace $0x8000004F;
	[dreg:$0x1] =	wrdreg $0xFFFFFFFF  }
0xad: {  	s28 =	simm.s32 $_size_execute0_lowered;
	s3 =	sadd.s32 s3, s5;
	[dreg:$0x0] =	wrdreg $0x0  }
0xae: {  	s5 =	sshll.u32 s28, $0x1;
	[dreg:$0x2] =	wrdreg s3  }
0xaf: {  	[dreg:$0x3] =	wrdreg s5  }
0xb0: {  	[dreg:$0x4] =	wrdreg $0xC0  }
0xb1: {  	_ =	task [dreg:s7], $0x5FFFF  }
0xb2: {  	[dreg:$0x1] =	wrdreg $0xFFFFFFFF  }
0xb3: {  	[dreg:$0x0] =	wrdreg $0x60  }
0xb4: {  	[dreg:$0x2] =	wrdreg s24  }
0xb5: {  	[dreg:$0x3] =	wrdreg s16  }
0xb6: {  	[dreg:$0x4] =	wrdreg $0x9  }
0xb7: {  	_ =	task.clear_ibuf [dreg:s7], $0x5FFFF;
	_ =	strace $0x9000004F  }
0xb8: {  	s29 =	simm.s32 $0x9;
	_ =	strace $0x80000051  }
0xb9: {  	_ =	swait.ge [sflag:s29], $0x1  }
0xba: {  	[sflag:s29] =	ssyncadd.s32 $0xFFFFFFFF  }
0xbb: {  	_ =	strace $0x90000051  }
0xbc: {  	_ =	sfence  }
0xbd: {  	s30 =	sld [smem:$0x0];
	_ =	sdelay $0x2  }
0xbe: {  	s31 =	sshll.u32 s1, $0xD;
	s1 =	sshrl.u32 s1, $0x2  }
0xbf: {  	s3 =	sand.u32 $0x4000, s31;
	s1 =	sadd.s32 s1, s30  }
0xc0: {  	s0 =	sor.u32 s3, s0;
	s1 =	sshll.u32 s1, $0x11  }
0xc1: {  	s0 =	sor.u32 s1, s0  }
0xc2: {  	s0 =	sadd.s32 $0x8F2B, s0  }
0xc3: {  	[sflag:s0] =	ssyncadd.remote.s32 $0x1  }
0xc4: {  	_ =	sfence.sel $0xFFFF  }
0xc5: {  	[dreg:$0x0] =	wrdreg $0xFFFFFFFF;
	(pc) =	sbr.abs _section_cstart, $3  }
0xc6: {  	[dreg:$0x1] =	wrdreg $0xFFFFFFFF  }
0xc7: {  	_ =	task.clear_ibuf [dreg:s7], $0x2FFFF;
	_ =	strace $0x9FFFFFFF  }
0xc8: {  	(tm) =	ssettm $0x7FFFFFFF  }
0xc9: {  	_ =	shalt  }
tec
execute0_lowered:
.L_overlay_start_1:
0x0: {  	(tag) =	ssettag $0x1  }
0x1: {  	s1 =	srdreg.scid;
	s5 =	rddreg [dreg:$0x0]  }
0x2: {  	s0 =	stileid.u32;
	s2 =	rddreg [dreg:$0x1];
	s6 =	simm.s32 $0x1  }
0x3: {  	s9 =	simm.s32 $0x1;
	s10 =	simm.s32 $0x3;
	s1 =	sshll.u32 s1, $0x7  }
0x4: {  	s13 =	simm.s32 $0x0;
	s3 =	sshll.u32 s0, $0x8;
	s4 =	sand.u32 $0x80, s1  }
0x5: {  	s12 =	simm.s32 $0x0;
	s1 =	rddreg [dreg:$0x2];
	s3 =	sor.u32 s3, s4  }
0x6: {  	_ =	strace $0x80000050;
	s4 =	sadd.s32 $0x1A00, s5;
	s8 =	ssub.s32 $0x2000, s3  }
.Ltmp0:
0x7: {  	s5 =	sadd.s32 $0x1E00, s5;
	s7 =	sand.u32 $0xF80, s8;
	(pc) =	sbr.rel .LBB2_1-.Ltmp0, $4  }
0x8: {  	[sflag:s6] =	ssyncpa.u1 $0x0;
	s11 =	smov.u32 s3;
	p0 =	sne.s32 s7, $0x0  }
0x9: {  	s8 =	sshrl.u32 s8, $0xC;
	s7 =	simm.s32 $0x2;
	s9 =	simm.s32 @!p0 $0x0  }
0xa: {  	[sflag:s7] =	ssyncpa.u1 $0x0;
	p0 =	por $0x0, $0x0;
	s8 =	sadd.s32 s9, s8  }
0xb: {  	vm0 =	vmmov $0xffff;
	[sflag:s10] =	ssyncpa.u1 $0x0;
	s10 =	simm.s32 $0x0;
	s9 =	sadd.s32 $0x1, s8  }
.LBB2_4:
0xc: {  	v2 =	vnsel vm1, $0x0, v2  }
0xd: {  	vm1 =	vgt.s32 v0, $0x0;
	v2 =	vmin.u32 v2, $0x1FFF  }
0xe: {  	v0 =	vnsel vm1, $0x0, v0  }
0xf: {  	v0 =	vmin.u32 v0, $0x1FFF  }
0x10: {  	[tilespmem:s15], [sflag:$0x1] =	stream.indirect_vreg.gather [hbm4b:s4+s10], $0x1, v1, vm0, $0x4038;
	[tilespmem:$0x200] =	vst v63  }
0x11: {  	(ifvalue) =	ssetifvalue $0x7FFFFFFF  }
0x12: {  	[tilespmem:s16], [sflag:$0x1] =	stream.indirect_vreg.gather [hbm4b:s4+s10], $0x1, v2, vm0, $0x4038;
	[tilespmem:$0x200] =	vst v63  }
0x13: {  	s29 =	sadd.s32 $0x10, s16;
	(ifvalue) =	ssetifvalue $0x7FFFFFFF  }
0x14: {  	[tilespmem:s29], [sflag:$0x1] =	stream.indirect_vreg.gather [hbm4b:s4+s10], $0x1, v0, vm0, $0x4038;
	[tilespmem:$0x200] =	vst v63  }
0x15: {  	_ =	swait.ge [sflag:s6], $0x80  }
0x16: {  	s30 =	sshrl.u32 s13, $0x3;
	[sflag:s6] =	ssyncset.done $0x0  }
0x17: {  	s31 =	sand.u32 $0x7, s13;
	s15 =	sadd.s32 s2, s30;
	[sflag:s6] =	ssyncadd.s32 $0xFFFFFF80  }
0x18: {  	[hbm4b:s15+s31] =	stream.linear.scatter [tilespmem:s14], [sflag:$0x3], $0x80, $0x38;
	[tilespmem:$0x200] =	vst v63  }
.LBB2_5:
0x19: {  	s15 =	sadd.s32 $0x1000, s11  }
0x1a: {  	p2 =	sgt.s32 s15, $0x1FFF  }
0x1b: {  	s15 =	smov.u32 @p2 s3;
	p2 =	sne.s32 s12, s9  }
.Ltmp1:
0x1c: {  	p1 =	slt.u32 s12, $0x2;
	(pc) =	sbr.rel @!p2 .LBB2_6-.Ltmp1, $4  }
0x1d: {  	s14 =	simm.s32 @!p1 $0x3  }
0x1e: {  	s16 =	sadd.s32 $0x1, s12;
	_ =	swait.ge @!p1 [sflag:s14], $0x80  }
0x1f: {  	s13 =	smov.u32 s11;
	p0 =	por !p0, !p0;
	[sflag:s14] =	ssyncset.done @!p1 $0x0  }
0x20: {  	s12 =	smov.u32 s16;
	s11 =	smov.u32 s15;
	[sflag:s14] =	ssyncadd.s32 @!p1 $0xFFFFFF80  }
.LBB2_1:
0x21: {  	p1 =	sge.u32 s12, s8  }
0x22: {  	s14 =	sxor.u32 @!p1 $0xFFFFFFFF, s12  }
0x23: {  	s31 =	sadd.s32 $0xFFFFFFFF, s12;
	s15 =	sshrl.u32 @!p1 s11, $0x3;
	s14 =	sshll.u32 @!p1 s14, $0x7  }
0x24: {  	s16 =	sand.u32 @!p1 $0x7, s11;
	s15 =	sadd.s32 @!p1 s5, s15;
	s14 =	sand.u32 @!p1 $0x80, s14  }
0x25: {  	[tilespmem:s14], [sflag:$0x2] =	stream.linear.gather @!p1 [hbm4b:s15+s16], $0x80, $0x38;
	[tilespmem:$0x200] =	vst v63  }
0x26: {  	p1 =	sge.u32 s31, s8  }
.Ltmp2:
0x27: {  	_ = 	snop;
	(pc) =	sbr.rel @p1 .LBB2_5-.Ltmp2, $1  }
0x28: {  	_ =	sdelay $0x3  }
0x29: {  	s14 =	simm.s32 $0x1  }
0x2a: {  	_ =	swait.ge [sflag:s7], $0x80;
	s14 =	simm.s32 @!p0 $0x0  }
0x2b: {  	[sflag:s7] =	ssyncset.done $0x0;
	s14 =	sshll.u32 s14, $0x7  }
0x2c: {  	[sflag:s7] =	ssyncadd.s32 $0xFFFFFF80;
	(ifvalue) =	ssetifvalue $0x7FFFFFFF;
	v0 =	vld.msk [tilespmem:s14+$0x0 ss:$0x1], $0xffff;
	_ =	sdelay $0x4  }
0x2d: {  	s15 =	sadd.s32 $0x10, s14;
	vm1 =	vgt.s32 v0, $0x0  }
0x2e: {  	v2 =	vld.msk [tilespmem:s15+$0x0 ss:$0x1], $0xffff;
	v1 =	vnsel vm1, $0x0, v0  }
0x2f: {  	v1 =	vmin.u32 v1, $0x1FFF;
	_ =	sdelay $0x1  }
0x30: {  	s16 =	sshll.u32 s12, $0x7;
	s18 =	simm.s32 $0x20  }
0x31: {  	s16 =	sand.u32 $0x80, s16;
	s17 =	sadd.s32 $0x10, s15;
	s15 =	sor.u32 $0x100, s14  }
0x32: {  	s14 =	sor.u32 $0x100, s16;
	s16 =	sadd.s32 $0x10, s15;
	v0 =	vld.msk [tilespmem:s17+$0x0 ss:$0x1], $0xffff;
	vm1 =	vgt.s32 v2, $0x0;
	(ifvalue) =	ssetifvalue $0x7FFFFFFF  }
.LBB2_3:
0x33: {  	[tilespmem:s15], [sflag:$0x1] =	stream.indirect_vreg.gather [hbm4b:s4+s10], $0x1, v1, vm0, $0x4038;
	[tilespmem:$0x200] =	vst v63  }
0x34: {  	s18 =	sadd.s32 $0x10, s18  }
0x35: {  	v2 =	vnsel vm1, $0x0, v2;
	p1 =	slt.u32 s18, $0x70  }
.Ltmp3:
0x36: {  	s15 =	smov.u32 s16;
	v1 =	vmin.u32 v2, $0x1FFF;
	(pc) =	sbr.rel @p1 .LBB2_3-.Ltmp3, $3  }
0x37: {  	_ =	sdelay $0x1  }
0x38: {  	s17 =	sadd.s32 $0x10, s17  }
0x39: {  	vm1 =	vgt.s32 v0, $0x0;
	s16 =	sadd.s32 $0x10, s16;
	v2 =	vmov v0;
	(ifvalue) =	ssetifvalue $0x7FFFFFFF;
	v0 =	vld.msk [tilespmem:s17+$0x0 ss:$0x1], $0xffff  }
.Ltmp4:
0x3a: {  	_ = 	snop;
	(pc) =	sbr.rel .LBB2_4-.Ltmp4, $1  }
0x3b: {  	_ =	sdelay $0x3  }
.LBB2_6:
0x3c: {  	_ =	sfence.sel $0x180000  }
0x3d: {  	s2 =	simm.s32 $0x2;
	[bflag:$0x0] =	sbarrier.arrive $0xFFFF  }
0x3e: {  	s30 =	simm.s32 $0x3;
	[sflag:s2] =	ssyncpa.u1 $0x1  }
0x3f: {  	s31 =	simm.s32 $0x1;
	[sflag:s30] =	ssyncpa.u1 $0x1  }
0x40: {  	[sflag:s31] =	ssyncpa.u1 $0x1  }
0x41: {  	p0 =	sne.s32 s0, $0x0;
	_ =	strace $0x90000050  }
0x42: {  	s0 =	sadd.s32 @!p0 $0x100000, s1;
	[bflag:$0x2] =	sbarrier.arrive $0xFFFF  }
0x43: {  	[sflag:s0] =	ssyncadd.tile.s32 @!p0 $0x1;
	_ =	shalt  }
.Lfunc_end2:
_tile_overlayer_lowered:
.L_overlay_start_2:
0x44: {  	(tag) =	ssettag $0x2  }
0x45: {  	s0 =	rddreg [dreg:$0x0];
	s2 =	stileid.u32  }
0x46: {  	s1 =	rddreg [dreg:$0x1];
	p0 =	sne.s32 s2, $0x0  }
0x47: {  	s3 =	rddreg [dreg:$0x2];
	[bflag:$0x3] =	sbarrier.arrive $0xFFFF;
	s2 =	simm.s32 @!p0 $0x1C01  }
0x48: {  	[timem:s3], [sflag:s2] =	dma.local @!p0 [hbm:s0], s1  }
0x49: {  	s0 =	simm.s32 @!p0 $0x1  }
0x4a: {  	_ =	swait.ge @!p0 [sflag:s0], s1  }
0x4b: {  	s1 =	ssub.s32 @!p0 $0x0, s1;
	[sflag:s0] =	ssyncset.done @!p0 $0x0  }
0x4c: {  	[sflag:s0] =	ssyncadd.s32 @!p0 s1  }
0x4d: {  	[bflag:$0x3] =	sbarrier.arrive $0xFFFF  }
0x4e: {  	_ =	shalt  }

// kernel: gather_offload_async_start.2
scs
__scs_entry_jumppad:
0x0: {  	(pc) =	sbr.rel $0x88, $3  }
0x1: {  	(tag) =	ssettag $0x0;
	lr =	simm.s32 $0x1  }
0x2: {  	[smem:$0x3F9F] =	sst lr;
	_ =	strace $0xD0000000  }
0x3: {  	_ = 	snop  }
0x4: {  	_ = 	snop  }
0x5: {  	_ = 	snop  }
0x6: {  	_ = 	snop  }
0x7: {  	_ = 	snop  }
__scs_overlays_trampoline_lowered:
0x8: {  	[smem:$0x3FAE] =	sst s0  }
0x9: {  	[smem:$0x3FAF] =	sst s1  }
0xa: {  	[smem:$0x3FB0] =	sst s2  }
0xb: {  	[smem:$0x3FB1] =	sst s3  }
0xc: {  	[smem:$0x3FB2] =	sst s4  }
0xd: {  	[smem:$0x3FB3] =	sst s5  }
0xe: {  	[smem:$0x3FB4] =	sst s6  }
0xf: {  	[smem:$0x3FB5] =	sst s7  }
0x10: {  	[smem:$0x3FB6] =	sst s8  }
0x11: {  	[smem:$0x3FB7] =	sst s9;
	s0 =	simm.s32 @!p0 $0x0  }
0x12: {  	s1 =	sld [smem:$0x3F9D];
	s0 =	simm.s32 @p0 $0x1  }
0x13: {  	[smem:$0x3FB8] =	sst s0;
	s0 =	simm.s32 @!p1 $0x0  }
0x14: {  	s2 =	sld [smem:$0x3F9C];
	s0 =	simm.s32 @p1 $0x1  }
0x15: {  	[smem:$0x3FB9] =	sst s0;
	s0 =	simm.s32 @!p2 $0x0  }
0x16: {  	s3 =	sld [smem:$0x3FDB];
	s0 =	simm.s32 @p2 $0x1  }
0x17: {  	s4 =	simm.s32 $0x1BF5;
	[smem:$0x3FBB] =	sst s0  }
0x18: {  	s0 =	sld [smem:$0x3F9E];
	_ =	swait.ge [sflag:s4], $0x0  }
0x19: {  	s7 =	sld [smem:$0x3F9F]  }
0x1a: {  	s8 =	sadd.s32 $0xFFFFE003, lr  }
0x1b: {  	s9 =	sadd.s32 $0xFFFFFEF7, lr;
	s5 =	simm.s32 $0xFFFFFFFF;
	p2 =	slt.u32 s8, $0xFFFFF086  }
0x1c: {  	p1 =	slt.u32 s9, $0xF7A;
	s5 =	simm.s32 @!p2 $0x0  }
0x1d: {  	s5 =	simm.s32 @p1 $0x1;
	p0 =	seq.s32 s7, s2  }
0x1e: {  	s7 =	smul.u32 @!p0 $0xF7A, s2;
	p2 =	seq.s32 @!p0 s5, $0x0  }
0x1f: {  	s9 =	smul.u32 $0xF7A, s1;
	s8 =	simm.s32 @!p0 $0x1BF5;
	p2 =	por !p2, p0  }
0x20: {  	[sflag:s8] =	ssyncset.s32 @!p0 $0xFFFFF086;
	s6 =	sadd.s32 @!p0 s3, s7;
	s7 =	simm.s32 @!p0 $0x108  }
0x21: {  	s3 =	sadd.s32 s3, s9;
	s6 =	sadd.s32 @!p0 $0x88, s6;
	s7 =	simm.s32 @p2 $0x1082  }
0x22: {  	[simem:s7], [sflag:s8] =	dma.local @!p0 [hbm:s6], $0xF7A  }
0x23: {  	s9 =	sor.u32 $0xD0000000, s2;
	s6 =	simm.s32 $0x108;
	_ =	swait.ge @!p0 [sflag:s8], $0x0  }
0x24: {  	s3 =	sadd.s32 $0x88, s3;
	s6 =	simm.s32 @!p1 $0x1082;
	[sflag:s4] =	ssyncset.s32 $0xFFFFF086  }
0x25: {  	[simem:s6], [sflag:s4] =	dma.local [hbm:s3], $0xF7A  }
0x26: {  	[smem:$0x3F9F] =	sst s1;
	(tag) =	ssettag s2;
	_ =	strace s9  }
0x27: {  	s1 =	sld [smem:$0x3FAF]  }
0x28: {  	s2 =	sld [smem:$0x3FB0]  }
0x29: {  	s4 =	sld [smem:$0x3FB2]  }
0x2a: {  	p0 =	seq.s32 s5, $0x0;
	s5 =	sld [smem:$0x3FB3]  }
0x2b: {  	s6 =	sld [smem:$0x3FB4]  }
0x2c: {  	s7 =	sld [smem:$0x3FB5]  }
0x2d: {  	s3 =	simm.s32 $0x108;
	s8 =	sld [smem:$0x3FB6]  }
0x2e: {  	s3 =	simm.s32 @!p0 $0x1082;
	s9 =	sld [smem:$0x3FB7]  }
0x2f: {  	lr =	sadd.s32 s0, s3;
	s0 =	sld [smem:$0x3FAE]  }
0x30: {  	s3 =	sld [smem:$0x3FB1]  }
0x31: {  	[smem:$0x3FBA] =	sst s10  }
0x32: {  	s10 =	sld [smem:$0x3FB8];
	_ =	sdelay $0x3  }
0x33: {  	p0 =	seq.s32 s10, $0x1;
	s10 =	sld [smem:$0x3FBA];
	_ =	sdelay $0x3  }
0x34: {  	[smem:$0x3FBA] =	sst s10  }
0x35: {  	s10 =	sld [smem:$0x3FB9];
	_ =	sdelay $0x3  }
0x36: {  	p1 =	seq.s32 s10, $0x1;
	s10 =	sld [smem:$0x3FBA];
	_ =	sdelay $0x3  }
0x37: {  	[smem:$0x3FBA] =	sst s10  }
0x38: {  	s10 =	sld [smem:$0x3FBB]  }
0x39: {  	_ = 	snop;
	(pc) =	sbr.ind lr, $3  }
0x3a: {  	_ = 	snop  }
0x3b: {  	_ = 	snop  }
0x3c: {  	p2 =	seq.s32 s10, $0x1;
	s10 =	sld [smem:$0x3FBA]  }
0x3d: {  	_ =	shalt  }
0x3e: {  	_ =	shalt  }
0x3f: {  	_ =	shalt  }
0x40: {  	_ =	shalt  }
0x41: {  	_ =	shalt  }
0x42: {  	_ =	shalt  }
0x43: {  	_ =	shalt  }
0x44: {  	_ =	shalt  }
0x45: {  	_ =	shalt  }
0x46: {  	_ =	shalt  }
0x47: {  	_ =	shalt  }
0x48: {  	_ =	shalt  }
0x49: {  	_ =	shalt  }
0x4a: {  	_ =	shalt  }
0x4b: {  	_ =	shalt  }
0x4c: {  	_ =	shalt  }
0x4d: {  	_ =	shalt  }
0x4e: {  	_ =	shalt  }
0x4f: {  	_ =	shalt  }
0x50: {  	_ =	shalt  }
0x51: {  	_ =	shalt  }
0x52: {  	_ =	shalt  }
0x53: {  	_ =	shalt  }
0x54: {  	_ =	shalt  }
0x55: {  	_ =	shalt  }
0x56: {  	_ =	shalt  }
0x57: {  	_ =	shalt  }
0x58: {  	_ =	shalt  }
0x59: {  	_ =	shalt  }
0x5a: {  	_ =	shalt  }
0x5b: {  	_ =	shalt  }
0x5c: {  	_ =	shalt  }
0x5d: {  	_ =	shalt  }
0x5e: {  	_ =	shalt  }
0x5f: {  	_ =	shalt  }
0x60: {  	_ =	shalt  }
0x61: {  	_ =	shalt  }
0x62: {  	_ =	shalt  }
0x63: {  	_ =	shalt  }
0x64: {  	_ =	shalt  }
0x65: {  	_ =	shalt  }
0x66: {  	_ =	shalt  }
0x67: {  	_ =	shalt  }
0x68: {  	_ =	shalt  }
0x69: {  	_ =	shalt  }
0x6a: {  	_ =	shalt  }
0x6b: {  	_ =	shalt  }
0x6c: {  	_ =	shalt  }
0x6d: {  	_ =	shalt  }
0x6e: {  	_ =	shalt  }
0x6f: {  	_ =	shalt  }
0x70: {  	_ =	shalt  }
0x71: {  	_ =	shalt  }
0x72: {  	_ =	shalt  }
0x73: {  	_ =	shalt  }
0x74: {  	_ =	shalt  }
0x75: {  	_ =	shalt  }
0x76: {  	_ =	shalt  }
0x77: {  	_ =	shalt  }
0x78: {  	_ =	shalt  }
0x79: {  	_ =	shalt  }
0x7a: {  	_ =	shalt  }
0x7b: {  	_ =	shalt  }
0x7c: {  	_ =	shalt  }
0x7d: {  	_ =	shalt  }
0x7e: {  	_ =	shalt  }
0x7f: {  	_ =	shalt  }
0x80: {  	_ =	shalt  }
0x81: {  	_ =	shalt  }
0x82: {  	_ =	shalt  }
0x83: {  	_ =	shalt  }
0x84: {  	_ =	shalt  }
0x85: {  	_ =	shalt  }
0x86: {  	_ =	shalt  }
0x87: {  	_ =	shalt  }
.Lfunc_end0:
.L_simem_size_0:
called_computation.2_lowered:
.L_overlay_start_0:
0x88: {  	s2 =	sld [smem:$0x3FD9]  }
0x89: {  	s3 =	sld [smem:$0x3FFE];
	_ =	sdelay $0x1  }
0x8a: {  	s1 =	srdreg.scid  }
0x8b: {  	s0 =	sand.u32 $0x1, s1  }
0x8c: {  	s16 =	sshll.u32 s0, $0xA;
	s2 =	sadd.s32 s3, s2  }
0x8d: {  	s2 =	sadd.s32 s2, s16  }
0x8e: {  	[smem:$0x3FC6] =	sst s2  }
0x8f: {  	_ = 	snop  }
0x90: {  	s17 =	sld [smem:$0x3FD0];
	_ =	sdelay $0x2  }
0x91: {  	s5 =	simm.s32 $0xB;
	s4 =	simm.s32 $0x10;
	s2 =	sld [smem:$0x3FC9]  }
0x92: {  	[smem:s4], [sflag:s5] =	dma.local [hbm:s17], $0x1  }
0x93: {  	_ =	swait.eq [sflag:s5], $0x1  }
0x94: {  	[sflag:s5] =	ssyncset.done $0x0  }
0x95: {  	s18 =	sld [smem:$0x10];
	[sflag:s5] =	ssyncadd.s32 $0xFFFFFFFF  }
0x96: {  	s19 =	sld [smem:$0x13];
	(tm) =	ssettm $0x1  }
0x97: {  	s20 =	sld [smem:$0x3FFB];
	_ =	sdelay $0x3  }
0x98: {  	_ =	strace s20  }
0x99: {  	s3 =	sld [smem:$0x3FFC];
	_ =	sdelay $0x3  }
0x9a: {  	_ =	strace s3  }
0x9b: {  	s3 =	sld [smem:$0x3FFD];
	_ =	sdelay $0x3  }
0x9c: {  	_ =	strace s3  }
0x9d: {  	_ =	strace $0x8FFFFFFF  }
0x9e: {  	s21 =	sld [smem:$0x3FDB];
	_ =	sdelay $0x1  }
0x9f: {  	s6 =	simm.s32 $_scs_section_size  }
0xa0: {  	s7 =	simm.s32 $_size__tile_overlayer_lowered;
	s8 =	simm.s32 $_tile_overlayer_lowered  }
0xa1: {  	s9 =	simm.s32 $0x1BFF;
	s22 =	sshll.u32 s8, $0x1;
	s6 =	sadd.s32 s6, s21  }
0xa2: {  	s23 =	simm.s32 $0x0;
	s7 =	sshll.u32 s7, $0x1;
	s8 =	sadd.s32 s22, s6  }
0xa3: {  	[timem:s23], [sflag:s9] =	dma.local [hbm:s8], s7  }
0xa4: {  	_ =	swait.ge [sflag:s9], s7  }
0xa5: {  	s7 =	ssub.s32 $0x0, s7;
	[sflag:s9] =	ssyncset.done $0x0  }
0xa6: {  	[sflag:s9] =	ssyncadd.s32 s7;
	_ =	sdelay $0x1  }
0xa7: {  	s24 =	simm.s32 $0x1B8B  }
0xa8: {  	_ =	swait.ge [sflag:s24], $0x1  }
0xa9: {  	[sflag:s24] =	ssyncset.done $0x0  }
0xaa: {  	[sflag:s24] =	ssyncadd.s32 $0xFFFFFFFF  }
0xab: {  	s7 =	sld [smem:$0x0]  }
0xac: {  	s8 =	sand.u32 $0xFFFFFFFE, s1  }
0xad: {  	p0 =	sne.s32 s1, s8  }
0xae: {  	s8 =	sshll.u32 @p0 s8, $0xE  }
0xaf: {  	s8 =	sadd.s32 @p0 $0x11B8D, s8;
	s9 =	sshll.u32 @p0 s7, $0x11  }
0xb0: {  	s8 =	sor.u32 @p0 s9, s8  }
0xb1: {  	[sflag:s8] =	ssyncadd.remote.s32 @p0 $0x1;
	_ =	sdelay $0x1  }
0xb2: {  	s8 =	simm.s32 @p0 $0x1B8D  }
0xb3: {  	_ =	swait.eq @p0 [sflag:s8], $0x1  }
0xb4: {  	[sflag:s8] =	ssyncadd.s32 @p0 $0xFFFFFFFF  }
0xb5: {  	s9 =	sshll.u32 @!p0 s1, $0xE  }
0xb6: {  	s9 =	sor.u32 @!p0 $0x4000, s9;
	s8 =	simm.s32 @!p0 $0x1B8D  }
0xb7: {  	s7 =	sshll.u32 @!p0 s7, $0x11;
	s9 =	sadd.s32 @!p0 $0x11B8D, s9;
	_ =	swait.eq @!p0 [sflag:s8], $0x1  }
0xb8: {  	s7 =	sor.u32 @!p0 s7, s9;
	[sflag:s8] =	ssyncadd.s32 @!p0 $0xFFFFFFFF  }
0xb9: {  	s25 =	simm.s32 $0x1B8E;
	[sflag:s7] =	ssyncadd.remote.s32 @!p0 $0x1  }
0xba: {  	s26 =	simm.s32 $execute0_lowered;
	[smem:$0x3FD2] =	sst s25  }
0xbb: {  	s7 =	sshll.u32 s26, $0x1;
	_ =	strace $0x80000049;
	[dreg:$0x1] =	wrdreg $0xFFFFFFFF  }
0xbc: {  	s28 =	simm.s32 $_size_execute0_lowered;
	s6 =	sadd.s32 s6, s7;
	[dreg:$0x0] =	wrdreg $0x0  }
0xbd: {  	s7 =	sshll.u32 s28, $0x1;
	[dreg:$0x2] =	wrdreg s6  }
0xbe: {  	[dreg:$0x3] =	wrdreg s7  }
0xbf: {  	[dreg:$0x4] =	wrdreg $0xC0  }
0xc0: {  	_ =	task [dreg:s23], $0x5FFFF  }
0xc1: {  	[dreg:$0x1] =	wrdreg $0xFFFFFFFF  }
0xc2: {  	[dreg:$0x0] =	wrdreg $0x60  }
0xc3: {  	[dreg:$0x2] =	wrdreg s2  }
0xc4: {  	[dreg:$0x3] =	wrdreg s19  }
0xc5: {  	[dreg:$0x4] =	wrdreg s18  }
0xc6: {  	[dreg:$0x5] =	wrdreg $0xA  }
0xc7: {  	_ =	task.clear_ibuf [dreg:s23], $0x6FFFF;
	_ =	strace $0x90000049  }
0xc8: {  	s29 =	simm.s32 $0xA;
	_ =	strace $0x8000004B  }
0xc9: {  	_ =	swait.ge [sflag:s29], $0x1  }
0xca: {  	[sflag:s29] =	ssyncadd.s32 $0xFFFFFFFF  }
0xcb: {  	_ =	strace $0x9000004B  }
0xcc: {  	_ =	sfence  }
0xcd: {  	s30 =	sld [smem:$0x0];
	_ =	sdelay $0x2  }
0xce: {  	s31 =	sshll.u32 s1, $0xD;
	s1 =	sshrl.u32 s1, $0x2  }
0xcf: {  	s4 =	sand.u32 $0x4000, s31;
	s1 =	sadd.s32 s1, s30  }
0xd0: {  	s0 =	sor.u32 s4, s0;
	s1 =	sshll.u32 s1, $0x11  }
0xd1: {  	s0 =	sor.u32 s1, s0  }
0xd2: {  	s0 =	sadd.s32 $0x8F2B, s0  }
0xd3: {  	[sflag:s0] =	ssyncadd.remote.s32 $0x1  }
0xd4: {  	_ =	sfence.sel $0xFFFF  }
0xd5: {  	[dreg:$0x0] =	wrdreg $0xFFFFFFFF;
	(pc) =	sbr.abs _section_cstart, $3  }
0xd6: {  	[dreg:$0x1] =	wrdreg $0xFFFFFFFF  }
0xd7: {  	_ =	task.clear_ibuf [dreg:s23], $0x2FFFF;
	_ =	strace $0x9FFFFFFF  }
0xd8: {  	(tm) =	ssettm $0x7FFFFFFF  }
0xd9: {  	_ =	shalt  }
tec
execute0_lowered:
.L_overlay_start_1:
0x0: {  	(tag) =	ssettag $0x1  }
0x1: {  	s2 =	rddreg [dreg:$0x0]  }
0x2: {  	s3 =	rddreg [dreg:$0x1]  }
0x3: {  	s4 =	rddreg [dreg:$0x2]  }
0x4: {  	s0 =	rddreg [dreg:$0x3];
	s1 =	srdreg.scid  }
0x5: {  	_ =	strace $0x8000004A;
	s5 =	simm.s32 $0x1;
	s6 =	sshll.u32 s1, $0x4  }
.Ltmp0:
0x6: {  	s1 =	stileid.u32;
	s6 =	sand.u32 $0x10, s6;
	(pc) =	sbr.rel .LBB2_1-.Ltmp0, $4  }
0x7: {  	s9 =	simm.s32 $0x3;
	s11 =	simm.s32 $0x0;
	s7 =	sor.u32 s1, s6  }
0x8: {  	[sflag:s5] =	ssyncpa.u1 $0x0;
	s6 =	simm.s32 $0x2;
	s7 =	sshll.u32 s7, $0x8  }
0x9: {  	p0 =	por $0x0, $0x0;
	[sflag:s6] =	ssyncpa.u1 $0x0;
	s8 =	sadd.s32 $0x100, s7  }
0xa: {  	vm0 =	vmmov $0xff;
	vm1 =	vcmask $0x3F20;
	[sflag:s9] =	ssyncpa.u1 $0x0;
	s10 =	smov.u32 s7;
	s9 =	simm.s32 $0x0  }
.LBB2_8:
0xb: {  	[hbm:s15] =	stream.linear.scatter [tilespmem:s12], [sflag:$0x3], $0x800, $0x38;
	[tilespmem:$0x10100] =	vst v63  }
.LBB2_9:
0xc: {  	p1 =	slt.u32 s9, $0x2;
	s11 =	sadd.s32 $0x80, s10  }
0xd: {  	s13 =	smov.u32 s7;
	s9 =	sadd.s32 $0x1, s9;
	p2 =	slt.s32 s11, s8  }
0xe: {  	s13 =	smov.u32 @p2 s11;
	p2 =	sne.s32 s9, $0x4  }
.Ltmp1:
0xf: {  	_ = 	snop;
	(pc) =	sbr.rel @!p2 .LBB2_10-.Ltmp1, $4  }
0x10: {  	s12 =	simm.s32 @!p1 $0x3  }
0x11: {  	_ =	swait.ge @!p1 [sflag:s12], $0x8000  }
0x12: {  	p0 =	por !p0, !p0;
	[sflag:s12] =	ssyncset.done @!p1 $0x0  }
0x13: {  	s11 =	smov.u32 s10;
	s10 =	smov.u32 s13;
	[sflag:s12] =	ssyncadd.s32 @!p1 $0xFFFF8000  }
.LBB2_1:
0x14: {  	p1 =	sgt.u32 s9, $0x1  }
0x15: {  	s12 =	sshll.u32 @!p1 s9, $0x7;
	s13 =	sshrl.u32 @!p1 s10, $0x3  }
0x16: {  	s14 =	sand.u32 @!p1 $0x7, s10;
	s12 =	sxor.u32 @!p1 $0x80, s12;
	s13 =	sadd.s32 @!p1 s3, s13  }
0x17: {  	[tilespmem:s12], [sflag:$0x2] =	stream.linear.gather @!p1 [hbm4b:s13+s14], $0x80, $0x38;
	[tilespmem:$0x10100] =	vst v63  }
0x18: {  	p1 =	seq.s32 s9, $0x0  }
0x19: {  	p2 =	seq.s32 @!p1 s9, $0x3  }
0x1a: {  	p1 =	por p1, p2  }
.Ltmp2:
0x1b: {  	_ = 	snop;
	(pc) =	sbr.rel @p1 .LBB2_9-.Ltmp2, $1  }
0x1c: {  	_ =	sdelay $0x3  }
0x1d: {  	s12 =	simm.s32 $0x1;
	_ =	swait.ge [sflag:s6], $0x80;
	s13 =	sand.u32 $0x1, s9  }
0x1e: {  	s15 =	simm.s32 $0x0;
	s12 =	simm.s32 @!p0 $0x0;
	[sflag:s6] =	ssyncset.done $0x0  }
0x1f: {  	s14 =	sshll.u32 s13, $0xF;
	s13 =	sshll.u32 s13, $0x7;
	s12 =	sshll.u32 s12, $0xF  }
0x20: {  	[sflag:s6] =	ssyncadd.s32 $0xFFFFFF80;
	s14 =	sor.u32 $0x100, s14;
	s12 =	sor.u32 $0x100, s12  }
.LBB2_3:
0x21: {  	s16 =	sshll.u32 s15, $0x4  }
0x22: {  	s16 =	sand.u32 $0x3FFFFFF0, s16  }
0x23: {  	s16 =	sadd.s32 s16, s13  }
0x24: {  	v0 =	vld.msk [tilespmem:s16+$0x0 ss:$0x1], $0xffff;
	_ =	sdelay $0x4  }
0x25: {  	vm2 =	vgt.s32 v0, $0x0  }
0x26: {  	v0 =	vnsel vm2, $0x0, v0  }
0x27: {  	v0 =	vmin.u32 v0, $0x1FFF  }
0x28: {  	s31 =	sshll.u32 s15, $0xC;
	v1 =	vshll.u32 v0, $0x5;
	v0 =	vshll.u32 v0, $0x4  }
0x29: {  	s16 =	sand.u32 $0x3FFFF000, s31;
	v1 =	vand.u32 $0x3FF00, v1;
	v0 =	vand.u32 $0x70, v0  }
0x2a: {  	p1 =	por $0x1, $0x1;
	s17 =	simm.s32 $0x0;
	s16 =	sadd.s32 s16, s14;
	v0 =	vor.u32 v0, v1  }
.LBB2_4:
0x2b: {  	_ =	sdelay $0x1  }
0x2c: {  	s17 =	sshra.s32 s17, $0x2;
	p2 =	por p1, p1  }
.Ltmp3:
0x2d: {  	s17 =	sadd.s32 s17, s16;
	(pc) =	sbr.rel @p2 .LBB2_4-.Ltmp3, $4  }
0x2e: {  	[tilespmem:s17], [sflag:$0x1] =	stream.indirect_vreg.gather [hbm:s2], $0x80, v0, vm0, $0x38;
	[tilespmem:$0x10100] =	vst v63  }
0x2f: {  	s17 =	sadd.s32 $0x800, s17  }
0x30: {  	[tilespmem:s17], [sflag:$0x1] =	stream.indirect_vreg.gather [hbm:s2], $0x80, v0, vm1, $0x38;
	[tilespmem:$0x10100] =	vst v63  }
0x31: {  	p1 =	por $0x0, $0x0;
	v0 =	vadd.s32 $0x80, v0;
	s17 =	simm.s32 $0x1000  }
0x32: {  	s15 =	sadd.s32 $0x1, s15  }
0x33: {  	p1 =	sne.s32 s15, $0x8  }
.Ltmp4:
0x34: {  	_ = 	snop;
	(pc) =	sbr.rel @p1 .LBB2_3-.Ltmp4, $1  }
0x35: {  	_ =	sdelay $0x3  }
0x36: {  	s13 =	sshll.u32 s11, $0x5  }
0x37: {  	s31 =	sshll.u32 s11, $0x4;
	s13 =	sand.u32 $0xFFFFFF00, s13  }
0x38: {  	_ =	swait.ge [sflag:s5], $0x8000;
	s11 =	sand.u32 $0x70, s31;
	s13 =	sadd.s32 s13, s4  }
0x39: {  	s14 =	sadd.s32 $0x800, s12;
	[sflag:s5] =	ssyncset.done $0x0;
	s11 =	sadd.s32 s11, s13  }
0x3a: {  	[sflag:s5] =	ssyncadd.s32 $0xFFFF8000;
	s13 =	simm.s32 $0x100;
	s15 =	sadd.s32 $0x0, s11  }
.LBB2_7:
0x3b: {  	[hbm:s15] =	stream.linear.scatter [tilespmem:s12], [sflag:$0x3], $0x800, $0x38;
	[tilespmem:$0x10100] =	vst v63  }
0x3c: {  	s15 =	smov.u32 s13;
	s12 =	smov.u32 s14;
	p1 =	sne.s32 s13, $0xF00  }
.Ltmp5:
0x3d: {  	s13 =	sadd.s32 $0x100, s13;
	(pc) =	sbr.rel @p1 .LBB2_7-.Ltmp5, $2  }
0x3e: {  	_ =	sdelay $0x2  }
0x3f: {  	s14 =	sadd.s32 $0x800, s14;
	s15 =	sadd.s32 s15, s11  }
.Ltmp6:
0x40: {  	_ = 	snop;
	(pc) =	sbr.rel .LBB2_8-.Ltmp6, $1  }
0x41: {  	_ =	sdelay $0x3  }
.LBB2_10:
0x42: {  	_ =	sfence.sel $0x180000  }
0x43: {  	s2 =	simm.s32 $0x2;
	[bflag:$0x0] =	sbarrier.arrive $0xFFFF  }
0x44: {  	s30 =	simm.s32 $0x3;
	[sflag:s2] =	ssyncpa.u1 $0x1  }
0x45: {  	s31 =	simm.s32 $0x1;
	[sflag:s30] =	ssyncpa.u1 $0x1  }
0x46: {  	[sflag:s31] =	ssyncpa.u1 $0x1  }
0x47: {  	p0 =	sne.s32 s1, $0x0;
	_ =	strace $0x9000004A  }
0x48: {  	s0 =	sadd.s32 @!p0 $0x100000, s0;
	[bflag:$0x2] =	sbarrier.arrive $0xFFFF  }
0x49: {  	[sflag:s0] =	ssyncadd.tile.s32 @!p0 $0x1;
	_ =	shalt  }
.Lfunc_end2:
_tile_overlayer_lowered:
.L_overlay_start_2:
0x4a: {  	(tag) =	ssettag $0x2  }
0x4b: {  	s0 =	rddreg [dreg:$0x0];
	s2 =	stileid.u32  }
0x4c: {  	s1 =	rddreg [dreg:$0x1];
	p0 =	sne.s32 s2, $0x0  }
0x4d: {  	s3 =	rddreg [dreg:$0x2];
	[bflag:$0x3] =	sbarrier.arrive $0xFFFF;
	s2 =	simm.s32 @!p0 $0x1C01  }
0x4e: {  	[timem:s3], [sflag:s2] =	dma.local @!p0 [hbm:s0], s1  }
0x4f: {  	s0 =	simm.s32 @!p0 $0x1  }
0x50: {  	_ =	swait.ge @!p0 [sflag:s0], s1  }
0x51: {  	s1 =	ssub.s32 @!p0 $0x0, s1;
	[sflag:s0] =	ssyncset.done @!p0 $0x0  }
0x52: {  	[sflag:s0] =	ssyncadd.s32 @!p0 s1  }
0x53: {  	[bflag:$0x3] =	sbarrier.arrive $0xFFFF  }
0x54: {  	_ =	shalt  }

// kernel: gather_offload_async_start.3
scs
__scs_entry_jumppad:
0x0: {  	(pc) =	sbr.rel $0x88, $3  }
0x1: {  	(tag) =	ssettag $0x0;
	lr =	simm.s32 $0x1  }
0x2: {  	[smem:$0x3F9F] =	sst lr;
	_ =	strace $0xD0000000  }
0x3: {  	_ = 	snop  }
0x4: {  	_ = 	snop  }
0x5: {  	_ = 	snop  }
0x6: {  	_ = 	snop  }
0x7: {  	_ = 	snop  }
__scs_overlays_trampoline_lowered:
0x8: {  	[smem:$0x3FAE] =	sst s0  }
0x9: {  	[smem:$0x3FAF] =	sst s1  }
0xa: {  	[smem:$0x3FB0] =	sst s2  }
0xb: {  	[smem:$0x3FB1] =	sst s3  }
0xc: {  	[smem:$0x3FB2] =	sst s4  }
0xd: {  	[smem:$0x3FB3] =	sst s5  }
0xe: {  	[smem:$0x3FB4] =	sst s6  }
0xf: {  	[smem:$0x3FB5] =	sst s7  }
0x10: {  	[smem:$0x3FB6] =	sst s8  }
0x11: {  	[smem:$0x3FB7] =	sst s9;
	s0 =	simm.s32 @!p0 $0x0  }
0x12: {  	s1 =	sld [smem:$0x3F9D];
	s0 =	simm.s32 @p0 $0x1  }
0x13: {  	[smem:$0x3FB8] =	sst s0;
	s0 =	simm.s32 @!p1 $0x0  }
0x14: {  	s2 =	sld [smem:$0x3F9C];
	s0 =	simm.s32 @p1 $0x1  }
0x15: {  	[smem:$0x3FB9] =	sst s0;
	s0 =	simm.s32 @!p2 $0x0  }
0x16: {  	s3 =	sld [smem:$0x3FDB];
	s0 =	simm.s32 @p2 $0x1  }
0x17: {  	s4 =	simm.s32 $0x1BF5;
	[smem:$0x3FBB] =	sst s0  }
0x18: {  	s0 =	sld [smem:$0x3F9E];
	_ =	swait.ge [sflag:s4], $0x0  }
0x19: {  	s7 =	sld [smem:$0x3F9F]  }
0x1a: {  	s8 =	sadd.s32 $0xFFFFE003, lr  }
0x1b: {  	s9 =	sadd.s32 $0xFFFFFEF7, lr;
	s5 =	simm.s32 $0xFFFFFFFF;
	p2 =	slt.u32 s8, $0xFFFFF086  }
0x1c: {  	p1 =	slt.u32 s9, $0xF7A;
	s5 =	simm.s32 @!p2 $0x0  }
0x1d: {  	s5 =	simm.s32 @p1 $0x1;
	p0 =	seq.s32 s7, s2  }
0x1e: {  	s7 =	smul.u32 @!p0 $0xF7A, s2;
	p2 =	seq.s32 @!p0 s5, $0x0  }
0x1f: {  	s9 =	smul.u32 $0xF7A, s1;
	s8 =	simm.s32 @!p0 $0x1BF5;
	p2 =	por !p2, p0  }
0x20: {  	[sflag:s8] =	ssyncset.s32 @!p0 $0xFFFFF086;
	s6 =	sadd.s32 @!p0 s3, s7;
	s7 =	simm.s32 @!p0 $0x108  }
0x21: {  	s3 =	sadd.s32 s3, s9;
	s6 =	sadd.s32 @!p0 $0x88, s6;
	s7 =	simm.s32 @p2 $0x1082  }
0x22: {  	[simem:s7], [sflag:s8] =	dma.local @!p0 [hbm:s6], $0xF7A  }
0x23: {  	s9 =	sor.u32 $0xD0000000, s2;
	s6 =	simm.s32 $0x108;
	_ =	swait.ge @!p0 [sflag:s8], $0x0  }
0x24: {  	s3 =	sadd.s32 $0x88, s3;
	s6 =	simm.s32 @!p1 $0x1082;
	[sflag:s4] =	ssyncset.s32 $0xFFFFF086  }
0x25: {  	[simem:s6], [sflag:s4] =	dma.local [hbm:s3], $0xF7A  }
0x26: {  	[smem:$0x3F9F] =	sst s1;
	(tag) =	ssettag s2;
	_ =	strace s9  }
0x27: {  	s1 =	sld [smem:$0x3FAF]  }
0x28: {  	s2 =	sld [smem:$0x3FB0]  }
0x29: {  	s4 =	sld [smem:$0x3FB2]  }
0x2a: {  	p0 =	seq.s32 s5, $0x0;
	s5 =	sld [smem:$0x3FB3]  }
0x2b: {  	s6 =	sld [smem:$0x3FB4]  }
0x2c: {  	s7 =	sld [smem:$0x3FB5]  }
0x2d: {  	s3 =	simm.s32 $0x108;
	s8 =	sld [smem:$0x3FB6]  }
0x2e: {  	s3 =	simm.s32 @!p0 $0x1082;
	s9 =	sld [smem:$0x3FB7]  }
0x2f: {  	lr =	sadd.s32 s0, s3;
	s0 =	sld [smem:$0x3FAE]  }
0x30: {  	s3 =	sld [smem:$0x3FB1]  }
0x31: {  	[smem:$0x3FBA] =	sst s10  }
0x32: {  	s10 =	sld [smem:$0x3FB8];
	_ =	sdelay $0x3  }
0x33: {  	p0 =	seq.s32 s10, $0x1;
	s10 =	sld [smem:$0x3FBA];
	_ =	sdelay $0x3  }
0x34: {  	[smem:$0x3FBA] =	sst s10  }
0x35: {  	s10 =	sld [smem:$0x3FB9];
	_ =	sdelay $0x3  }
0x36: {  	p1 =	seq.s32 s10, $0x1;
	s10 =	sld [smem:$0x3FBA];
	_ =	sdelay $0x3  }
0x37: {  	[smem:$0x3FBA] =	sst s10  }
0x38: {  	s10 =	sld [smem:$0x3FBB]  }
0x39: {  	_ = 	snop;
	(pc) =	sbr.ind lr, $3  }
0x3a: {  	_ = 	snop  }
0x3b: {  	_ = 	snop  }
0x3c: {  	p2 =	seq.s32 s10, $0x1;
	s10 =	sld [smem:$0x3FBA]  }
0x3d: {  	_ =	shalt  }
0x3e: {  	_ =	shalt  }
0x3f: {  	_ =	shalt  }
0x40: {  	_ =	shalt  }
0x41: {  	_ =	shalt  }
0x42: {  	_ =	shalt  }
0x43: {  	_ =	shalt  }
0x44: {  	_ =	shalt  }
0x45: {  	_ =	shalt  }
0x46: {  	_ =	shalt  }
0x47: {  	_ =	shalt  }
0x48: {  	_ =	shalt  }
0x49: {  	_ =	shalt  }
0x4a: {  	_ =	shalt  }
0x4b: {  	_ =	shalt  }
0x4c: {  	_ =	shalt  }
0x4d: {  	_ =	shalt  }
0x4e: {  	_ =	shalt  }
0x4f: {  	_ =	shalt  }
0x50: {  	_ =	shalt  }
0x51: {  	_ =	shalt  }
0x52: {  	_ =	shalt  }
0x53: {  	_ =	shalt  }
0x54: {  	_ =	shalt  }
0x55: {  	_ =	shalt  }
0x56: {  	_ =	shalt  }
0x57: {  	_ =	shalt  }
0x58: {  	_ =	shalt  }
0x59: {  	_ =	shalt  }
0x5a: {  	_ =	shalt  }
0x5b: {  	_ =	shalt  }
0x5c: {  	_ =	shalt  }
0x5d: {  	_ =	shalt  }
0x5e: {  	_ =	shalt  }
0x5f: {  	_ =	shalt  }
0x60: {  	_ =	shalt  }
0x61: {  	_ =	shalt  }
0x62: {  	_ =	shalt  }
0x63: {  	_ =	shalt  }
0x64: {  	_ =	shalt  }
0x65: {  	_ =	shalt  }
0x66: {  	_ =	shalt  }
0x67: {  	_ =	shalt  }
0x68: {  	_ =	shalt  }
0x69: {  	_ =	shalt  }
0x6a: {  	_ =	shalt  }
0x6b: {  	_ =	shalt  }
0x6c: {  	_ =	shalt  }
0x6d: {  	_ =	shalt  }
0x6e: {  	_ =	shalt  }
0x6f: {  	_ =	shalt  }
0x70: {  	_ =	shalt  }
0x71: {  	_ =	shalt  }
0x72: {  	_ =	shalt  }
0x73: {  	_ =	shalt  }
0x74: {  	_ =	shalt  }
0x75: {  	_ =	shalt  }
0x76: {  	_ =	shalt  }
0x77: {  	_ =	shalt  }
0x78: {  	_ =	shalt  }
0x79: {  	_ =	shalt  }
0x7a: {  	_ =	shalt  }
0x7b: {  	_ =	shalt  }
0x7c: {  	_ =	shalt  }
0x7d: {  	_ =	shalt  }
0x7e: {  	_ =	shalt  }
0x7f: {  	_ =	shalt  }
0x80: {  	_ =	shalt  }
0x81: {  	_ =	shalt  }
0x82: {  	_ =	shalt  }
0x83: {  	_ =	shalt  }
0x84: {  	_ =	shalt  }
0x85: {  	_ =	shalt  }
0x86: {  	_ =	shalt  }
0x87: {  	_ =	shalt  }
.Lfunc_end0:
.L_simem_size_0:
called_computation.3_lowered:
.L_overlay_start_0:
0x88: {  	s2 =	sld [smem:$0x3FD9]  }
0x89: {  	s3 =	sld [smem:$0x3FFE];
	_ =	sdelay $0x1  }
0x8a: {  	s1 =	srdreg.scid  }
0x8b: {  	s0 =	sand.u32 $0x1, s1  }
0x8c: {  	s15 =	sshll.u32 s0, $0xA;
	s2 =	sadd.s32 s3, s2  }
0x8d: {  	s2 =	sadd.s32 s2, s15  }
0x8e: {  	[smem:$0x3FC6] =	sst s2  }
0x8f: {  	_ = 	snop  }
0x90: {  	s2 =	sld [smem:$0x3FD0];
	_ =	sdelay $0x2  }
0x91: {  	s4 =	simm.s32 $0xB;
	s5 =	simm.s32 $0x10;
	s16 =	sld [smem:$0x3FC8]  }
0x92: {  	[smem:s5], [sflag:s4] =	dma.local [hbm:s2], $0x1  }
0x93: {  	_ =	swait.eq [sflag:s4], $0x1  }
0x94: {  	[sflag:s4] =	ssyncset.done $0x0  }
0x95: {  	s17 =	sld [smem:$0x10];
	[sflag:s4] =	ssyncadd.s32 $0xFFFFFFFF  }
0x96: {  	s18 =	sld [smem:$0x13];
	(tm) =	ssettm $0x1  }
0x97: {  	s19 =	sld [smem:$0x3FFB];
	_ =	sdelay $0x3  }
0x98: {  	_ =	strace s19  }
0x99: {  	s5 =	sld [smem:$0x3FFC];
	_ =	sdelay $0x3  }
0x9a: {  	_ =	strace s5  }
0x9b: {  	s5 =	sld [smem:$0x3FFD];
	_ =	sdelay $0x3  }
0x9c: {  	_ =	strace s5  }
0x9d: {  	_ =	strace $0x8FFFFFFF  }
0x9e: {  	s20 =	sld [smem:$0x3FDB];
	_ =	sdelay $0x1  }
0x9f: {  	s6 =	simm.s32 $_scs_section_size  }
0xa0: {  	s7 =	simm.s32 $_size__tile_overlayer_lowered;
	s8 =	simm.s32 $_tile_overlayer_lowered  }
0xa1: {  	s23 =	simm.s32 $0x1BFF;
	s22 =	sshll.u32 s8, $0x1;
	s5 =	sadd.s32 s6, s20  }
0xa2: {  	s9 =	simm.s32 $0x0;
	s21 =	sshll.u32 s7, $0x1;
	s7 =	sadd.s32 s22, s5  }
0xa3: {  	[timem:s9], [sflag:s23] =	dma.local [hbm:s7], s21  }
0xa4: {  	_ =	swait.ge [sflag:s23], s21  }
0xa5: {  	s6 =	ssub.s32 $0x0, s21;
	[sflag:s23] =	ssyncset.done $0x0  }
0xa6: {  	[sflag:s23] =	ssyncadd.s32 s6;
	_ =	sdelay $0x1  }
0xa7: {  	s24 =	simm.s32 $0x1B8B  }
0xa8: {  	_ =	swait.ge [sflag:s24], $0x1  }
0xa9: {  	[sflag:s24] =	ssyncset.done $0x0  }
0xaa: {  	s25 =	simm.s32 $0x1B8E;
	[sflag:s24] =	ssyncadd.s32 $0xFFFFFFFF  }
0xab: {  	s26 =	simm.s32 $execute0_lowered;
	[smem:$0x3FD2] =	sst s25  }
0xac: {  	s6 =	sshll.u32 s26, $0x1;
	_ =	strace $0x8000004C;
	[dreg:$0x1] =	wrdreg $0xFFFFFFFF  }
0xad: {  	s28 =	simm.s32 $_size_execute0_lowered;
	s5 =	sadd.s32 s5, s6;
	[dreg:$0x0] =	wrdreg $0x0  }
0xae: {  	s6 =	sshll.u32 s28, $0x1;
	[dreg:$0x2] =	wrdreg s5  }
0xaf: {  	[dreg:$0x3] =	wrdreg s6  }
0xb0: {  	[dreg:$0x4] =	wrdreg $0xC0  }
0xb1: {  	_ =	task [dreg:s9], $0x5FFFF  }
0xb2: {  	[dreg:$0x1] =	wrdreg $0xFFFFFFFF  }
0xb3: {  	[dreg:$0x0] =	wrdreg $0x60  }
0xb4: {  	[dreg:$0x2] =	wrdreg s16  }
0xb5: {  	[dreg:$0x3] =	wrdreg s18  }
0xb6: {  	[dreg:$0x4] =	wrdreg s17  }
0xb7: {  	[dreg:$0x5] =	wrdreg $0x9  }
0xb8: {  	_ =	task.clear_ibuf [dreg:s9], $0x6FFFF;
	_ =	strace $0x9000004C  }
0xb9: {  	s29 =	simm.s32 $0x9;
	_ =	strace $0x8000004E  }
0xba: {  	_ =	swait.ge [sflag:s29], $0x1  }
0xbb: {  	[sflag:s29] =	ssyncadd.s32 $0xFFFFFFFF  }
0xbc: {  	_ =	strace $0x9000004E  }
0xbd: {  	_ =	sfence  }
0xbe: {  	s30 =	sld [smem:$0x0];
	_ =	sdelay $0x2  }
0xbf: {  	s31 =	sshll.u32 s1, $0xD;
	s1 =	sshrl.u32 s1, $0x2  }
0xc0: {  	s3 =	sand.u32 $0x4000, s31;
	s1 =	sadd.s32 s1, s30  }
0xc1: {  	s0 =	sor.u32 s3, s0;
	s1 =	sshll.u32 s1, $0x11  }
0xc2: {  	s0 =	sor.u32 s1, s0  }
0xc3: {  	s0 =	sadd.s32 $0x8F2B, s0  }
0xc4: {  	[sflag:s0] =	ssyncadd.remote.s32 $0x1  }
0xc5: {  	_ =	sfence.sel $0xFFFF  }
0xc6: {  	[dreg:$0x0] =	wrdreg $0xFFFFFFFF;
	(pc) =	sbr.abs _section_cstart, $3  }
0xc7: {  	[dreg:$0x1] =	wrdreg $0xFFFFFFFF  }
0xc8: {  	_ =	task.clear_ibuf [dreg:s9], $0x2FFFF;
	_ =	strace $0x9FFFFFFF  }
0xc9: {  	(tm) =	ssettm $0x7FFFFFFF  }
tec
execute0_lowered:
.L_overlay_start_1:
0x0: {  	(tag) =	ssettag $0x1  }
0x1: {  	s2 =	rddreg [dreg:$0x0]  }
0x2: {  	s3 =	rddreg [dreg:$0x1]  }
0x3: {  	s4 =	rddreg [dreg:$0x2]  }
0x4: {  	s0 =	rddreg [dreg:$0x3];
	s1 =	srdreg.scid  }
0x5: {  	_ =	strace $0x8000004D;
	s5 =	simm.s32 $0x1;
	s6 =	sshll.u32 s1, $0x4  }
.Ltmp0:
0x6: {  	s1 =	stileid.u32;
	s6 =	sand.u32 $0x10, s6;
	(pc) =	sbr.rel .LBB2_1-.Ltmp0, $4  }
0x7: {  	s9 =	simm.s32 $0x3;
	s11 =	simm.s32 $0x0;
	s7 =	sor.u32 s1, s6  }
0x8: {  	[sflag:s5] =	ssyncpa.u1 $0x0;
	s6 =	simm.s32 $0x2;
	s7 =	sshll.u32 s7, $0x8  }
0x9: {  	p0 =	por $0x0, $0x0;
	[sflag:s6] =	ssyncpa.u1 $0x0;
	s8 =	sadd.s32 $0x100, s7  }
0xa: {  	vm0 =	vmmov $0xff;
	vm1 =	vcmask $0x3F20;
	[sflag:s9] =	ssyncpa.u1 $0x0;
	s10 =	smov.u32 s7;
	s9 =	simm.s32 $0x0  }
.LBB2_8:
0xb: {  	[hbm:s15] =	stream.linear.scatter [tilespmem:s12], [sflag:$0x3], $0x800, $0x38;
	[tilespmem:$0x10100] =	vst v63  }
.LBB2_9:
0xc: {  	p1 =	slt.u32 s9, $0x2;
	s11 =	sadd.s32 $0x80, s10  }
0xd: {  	s13 =	smov.u32 s7;
	s9 =	sadd.s32 $0x1, s9;
	p2 =	slt.s32 s11, s8  }
0xe: {  	s13 =	smov.u32 @p2 s11;
	p2 =	sne.s32 s9, $0x4  }
.Ltmp1:
0xf: {  	_ = 	snop;
	(pc) =	sbr.rel @!p2 .LBB2_10-.Ltmp1, $4  }
0x10: {  	s12 =	simm.s32 @!p1 $0x3  }
0x11: {  	_ =	swait.ge @!p1 [sflag:s12], $0x8000  }
0x12: {  	p0 =	por !p0, !p0;
	[sflag:s12] =	ssyncset.done @!p1 $0x0  }
0x13: {  	s11 =	smov.u32 s10;
	s10 =	smov.u32 s13;
	[sflag:s12] =	ssyncadd.s32 @!p1 $0xFFFF8000  }
.LBB2_1:
0x14: {  	p1 =	sgt.u32 s9, $0x1  }
0x15: {  	s12 =	sshll.u32 @!p1 s9, $0x7;
	s13 =	sshrl.u32 @!p1 s10, $0x3  }
0x16: {  	s14 =	sand.u32 @!p1 $0x7, s10;
	s12 =	sxor.u32 @!p1 $0x80, s12;
	s13 =	sadd.s32 @!p1 s3, s13  }
0x17: {  	[tilespmem:s12], [sflag:$0x2] =	stream.linear.gather @!p1 [hbm4b:s13+s14], $0x80, $0x38;
	[tilespmem:$0x10100] =	vst v63  }
0x18: {  	p1 =	seq.s32 s9, $0x0  }
0x19: {  	p2 =	seq.s32 @!p1 s9, $0x3  }
0x1a: {  	p1 =	por p1, p2  }
.Ltmp2:
0x1b: {  	_ = 	snop;
	(pc) =	sbr.rel @p1 .LBB2_9-.Ltmp2, $1  }
0x1c: {  	_ =	sdelay $0x3  }
0x1d: {  	s12 =	simm.s32 $0x1;
	_ =	swait.ge [sflag:s6], $0x80;
	s13 =	sand.u32 $0x1, s9  }
0x1e: {  	s15 =	simm.s32 $0x0;
	s12 =	simm.s32 @!p0 $0x0;
	[sflag:s6] =	ssyncset.done $0x0  }
0x1f: {  	s14 =	sshll.u32 s13, $0xF;
	s13 =	sshll.u32 s13, $0x7;
	s12 =	sshll.u32 s12, $0xF  }
0x20: {  	[sflag:s6] =	ssyncadd.s32 $0xFFFFFF80;
	s14 =	sor.u32 $0x100, s14;
	s12 =	sor.u32 $0x100, s12  }
.LBB2_3:
0x21: {  	s16 =	sshll.u32 s15, $0x4  }
0x22: {  	s16 =	sand.u32 $0x3FFFFFF0, s16  }
0x23: {  	s16 =	sadd.s32 s16, s13  }
0x24: {  	v0 =	vld.msk [tilespmem:s16+$0x0 ss:$0x1], $0xffff;
	_ =	sdelay $0x4  }
0x25: {  	vm2 =	vgt.s32 v0, $0x0  }
0x26: {  	v0 =	vnsel vm2, $0x0, v0  }
0x27: {  	v0 =	vmin.u32 v0, $0x1FFF  }
0x28: {  	s31 =	sshll.u32 s15, $0xC;
	v1 =	vshll.u32 v0, $0x5;
	v0 =	vshll.u32 v0, $0x4  }
0x29: {  	s16 =	sand.u32 $0x3FFFF000, s31;
	v1 =	vand.u32 $0x3FF00, v1;
	v0 =	vand.u32 $0x70, v0  }
0x2a: {  	p1 =	por $0x1, $0x1;
	s17 =	simm.s32 $0x0;
	s16 =	sadd.s32 s16, s14;
	v0 =	vor.u32 v0, v1  }
.LBB2_4:
0x2b: {  	_ =	sdelay $0x1  }
0x2c: {  	s17 =	sshra.s32 s17, $0x2;
	p2 =	por p1, p1  }
.Ltmp3:
0x2d: {  	s17 =	sadd.s32 s17, s16;
	(pc) =	sbr.rel @p2 .LBB2_4-.Ltmp3, $4  }
0x2e: {  	[tilespmem:s17], [sflag:$0x1] =	stream.indirect_vreg.gather [hbm:s2], $0x80, v0, vm0, $0x38;
	[tilespmem:$0x10100] =	vst v63  }
0x2f: {  	s17 =	sadd.s32 $0x800, s17  }
0x30: {  	[tilespmem:s17], [sflag:$0x1] =	stream.indirect_vreg.gather [hbm:s2], $0x80, v0, vm1, $0x38;
	[tilespmem:$0x10100] =	vst v63  }
0x31: {  	p1 =	por $0x0, $0x0;
	v0 =	vadd.s32 $0x80, v0;
	s17 =	simm.s32 $0x1000  }
0x32: {  	s15 =	sadd.s32 $0x1, s15  }
0x33: {  	p1 =	sne.s32 s15, $0x8  }
.Ltmp4:
0x34: {  	_ = 	snop;
	(pc) =	sbr.rel @p1 .LBB2_3-.Ltmp4, $1  }
0x35: {  	_ =	sdelay $0x3  }
0x36: {  	s13 =	sshll.u32 s11, $0x5  }
0x37: {  	s31 =	sshll.u32 s11, $0x4;
	s13 =	sand.u32 $0xFFFFFF00, s13  }
0x38: {  	_ =	swait.ge [sflag:s5], $0x8000;
	s11 =	sand.u32 $0x70, s31;
	s13 =	sadd.s32 s13, s4  }
0x39: {  	s14 =	sadd.s32 $0x800, s12;
	[sflag:s5] =	ssyncset.done $0x0;
	s11 =	sadd.s32 s11, s13  }
0x3a: {  	[sflag:s5] =	ssyncadd.s32 $0xFFFF8000;
	s13 =	simm.s32 $0x100;
	s15 =	sadd.s32 $0x0, s11  }
.LBB2_7:
0x3b: {  	[hbm:s15] =	stream.linear.scatter [tilespmem:s12], [sflag:$0x3], $0x800, $0x38;
	[tilespmem:$0x10100] =	vst v63  }
0x3c: {  	s15 =	smov.u32 s13;
	s12 =	smov.u32 s14;
	p1 =	sne.s32 s13, $0xF00  }
.Ltmp5:
0x3d: {  	s13 =	sadd.s32 $0x100, s13;
	(pc) =	sbr.rel @p1 .LBB2_7-.Ltmp5, $2  }
0x3e: {  	_ =	sdelay $0x2  }
0x3f: {  	s14 =	sadd.s32 $0x800, s14;
	s15 =	sadd.s32 s15, s11  }
.Ltmp6:
0x40: {  	_ = 	snop;
	(pc) =	sbr.rel .LBB2_8-.Ltmp6, $1  }
0x41: {  	_ =	sdelay $0x3  }
.LBB2_10:
0x42: {  	_ =	sfence.sel $0x180000  }
0x43: {  	s2 =	simm.s32 $0x2;
	[bflag:$0x0] =	sbarrier.arrive $0xFFFF  }
0x44: {  	s30 =	simm.s32 $0x3;
	[sflag:s2] =	ssyncpa.u1 $0x1  }
0x45: {  	s31 =	simm.s32 $0x1;
	[sflag:s30] =	ssyncpa.u1 $0x1  }
0x46: {  	[sflag:s31] =	ssyncpa.u1 $0x1  }
0x47: {  	p0 =	sne.s32 s1, $0x0;
	_ =	strace $0x9000004D  }
0x48: {  	s0 =	sadd.s32 @!p0 $0x100000, s0;
	[bflag:$0x2] =	sbarrier.arrive $0xFFFF  }
0x49: {  	[sflag:s0] =	ssyncadd.tile.s32 @!p0 $0x1;
	_ =	shalt  }
.Lfunc_end2:
_tile_overlayer_lowered:
.L_overlay_start_2:
0x4a: {  	(tag) =	ssettag $0x2  }
0x4b: {  	s0 =	rddreg [dreg:$0x0];
	s2 =	stileid.u32  }
0x4c: {  	s1 =	rddreg [dreg:$0x1];
	p0 =	sne.s32 s2, $0x0  }
0x4d: {  	s3 =	rddreg [dreg:$0x2];
	[bflag:$0x3] =	sbarrier.arrive $0xFFFF;
	s2 =	simm.s32 @!p0 $0x1C01  }
0x4e: {  	[timem:s3], [sflag:s2] =	dma.local @!p0 [hbm:s0], s1  }
0x4f: {  	s0 =	simm.s32 @!p0 $0x1  }
0x50: {  	_ =	swait.ge @!p0 [sflag:s0], s1  }
0x51: {  	s1 =	ssub.s32 @!p0 $0x0, s1;
	[sflag:s0] =	ssyncset.done @!p0 $0x0  }
0x52: {  	[sflag:s0] =	ssyncadd.s32 @!p0 s1  }
0x53: {  	[bflag:$0x3] =	sbarrier.arrive $0xFFFF  }
0x54: {  	_ =	shalt  }

// kernel: gather_offload_async_start.4
scs
__scs_entry_jumppad:
0x0: {  	(pc) =	sbr.rel $0x88, $3  }
0x1: {  	(tag) =	ssettag $0x0;
	lr =	simm.s32 $0x1  }
0x2: {  	[smem:$0x3F9F] =	sst lr;
	_ =	strace $0xD0000000  }
0x3: {  	_ = 	snop  }
0x4: {  	_ = 	snop  }
0x5: {  	_ = 	snop  }
0x6: {  	_ = 	snop  }
0x7: {  	_ = 	snop  }
__scs_overlays_trampoline_lowered:
0x8: {  	[smem:$0x3FAE] =	sst s0  }
0x9: {  	[smem:$0x3FAF] =	sst s1  }
0xa: {  	[smem:$0x3FB0] =	sst s2  }
0xb: {  	[smem:$0x3FB1] =	sst s3  }
0xc: {  	[smem:$0x3FB2] =	sst s4  }
0xd: {  	[smem:$0x3FB3] =	sst s5  }
0xe: {  	[smem:$0x3FB4] =	sst s6  }
0xf: {  	[smem:$0x3FB5] =	sst s7  }
0x10: {  	[smem:$0x3FB6] =	sst s8  }
0x11: {  	[smem:$0x3FB7] =	sst s9;
	s0 =	simm.s32 @!p0 $0x0  }
0x12: {  	s1 =	sld [smem:$0x3F9D];
	s0 =	simm.s32 @p0 $0x1  }
0x13: {  	[smem:$0x3FB8] =	sst s0;
	s0 =	simm.s32 @!p1 $0x0  }
0x14: {  	s2 =	sld [smem:$0x3F9C];
	s0 =	simm.s32 @p1 $0x1  }
0x15: {  	[smem:$0x3FB9] =	sst s0;
	s0 =	simm.s32 @!p2 $0x0  }
0x16: {  	s3 =	sld [smem:$0x3FDB];
	s0 =	simm.s32 @p2 $0x1  }
0x17: {  	s4 =	simm.s32 $0x1BF5;
	[smem:$0x3FBB] =	sst s0  }
0x18: {  	s0 =	sld [smem:$0x3F9E];
	_ =	swait.ge [sflag:s4], $0x0  }
0x19: {  	s7 =	sld [smem:$0x3F9F]  }
0x1a: {  	s8 =	sadd.s32 $0xFFFFE003, lr  }
0x1b: {  	s9 =	sadd.s32 $0xFFFFFEF7, lr;
	s5 =	simm.s32 $0xFFFFFFFF;
	p2 =	slt.u32 s8, $0xFFFFF086  }
0x1c: {  	p1 =	slt.u32 s9, $0xF7A;
	s5 =	simm.s32 @!p2 $0x0  }
0x1d: {  	s5 =	simm.s32 @p1 $0x1;
	p0 =	seq.s32 s7, s2  }
0x1e: {  	s7 =	smul.u32 @!p0 $0xF7A, s2;
	p2 =	seq.s32 @!p0 s5, $0x0  }
0x1f: {  	s9 =	smul.u32 $0xF7A, s1;
	s8 =	simm.s32 @!p0 $0x1BF5;
	p2 =	por !p2, p0  }
0x20: {  	[sflag:s8] =	ssyncset.s32 @!p0 $0xFFFFF086;
	s6 =	sadd.s32 @!p0 s3, s7;
	s7 =	simm.s32 @!p0 $0x108  }
0x21: {  	s3 =	sadd.s32 s3, s9;
	s6 =	sadd.s32 @!p0 $0x88, s6;
	s7 =	simm.s32 @p2 $0x1082  }
0x22: {  	[simem:s7], [sflag:s8] =	dma.local @!p0 [hbm:s6], $0xF7A  }
0x23: {  	s9 =	sor.u32 $0xD0000000, s2;
	s6 =	simm.s32 $0x108;
	_ =	swait.ge @!p0 [sflag:s8], $0x0  }
0x24: {  	s3 =	sadd.s32 $0x88, s3;
	s6 =	simm.s32 @!p1 $0x1082;
	[sflag:s4] =	ssyncset.s32 $0xFFFFF086  }
0x25: {  	[simem:s6], [sflag:s4] =	dma.local [hbm:s3], $0xF7A  }
0x26: {  	[smem:$0x3F9F] =	sst s1;
	(tag) =	ssettag s2;
	_ =	strace s9  }
0x27: {  	s1 =	sld [smem:$0x3FAF]  }
0x28: {  	s2 =	sld [smem:$0x3FB0]  }
0x29: {  	s4 =	sld [smem:$0x3FB2]  }
0x2a: {  	p0 =	seq.s32 s5, $0x0;
	s5 =	sld [smem:$0x3FB3]  }
0x2b: {  	s6 =	sld [smem:$0x3FB4]  }
0x2c: {  	s7 =	sld [smem:$0x3FB5]  }
0x2d: {  	s3 =	simm.s32 $0x108;
	s8 =	sld [smem:$0x3FB6]  }
0x2e: {  	s3 =	simm.s32 @!p0 $0x1082;
	s9 =	sld [smem:$0x3FB7]  }
0x2f: {  	lr =	sadd.s32 s0, s3;
	s0 =	sld [smem:$0x3FAE]  }
0x30: {  	s3 =	sld [smem:$0x3FB1]  }
0x31: {  	[smem:$0x3FBA] =	sst s10  }
0x32: {  	s10 =	sld [smem:$0x3FB8];
	_ =	sdelay $0x3  }
0x33: {  	p0 =	seq.s32 s10, $0x1;
	s10 =	sld [smem:$0x3FBA];
	_ =	sdelay $0x3  }
0x34: {  	[smem:$0x3FBA] =	sst s10  }
0x35: {  	s10 =	sld [smem:$0x3FB9];
	_ =	sdelay $0x3  }
0x36: {  	p1 =	seq.s32 s10, $0x1;
	s10 =	sld [smem:$0x3FBA];
	_ =	sdelay $0x3  }
0x37: {  	[smem:$0x3FBA] =	sst s10  }
0x38: {  	s10 =	sld [smem:$0x3FBB]  }
0x39: {  	_ = 	snop;
	(pc) =	sbr.ind lr, $3  }
0x3a: {  	_ = 	snop  }
0x3b: {  	_ = 	snop  }
0x3c: {  	p2 =	seq.s32 s10, $0x1;
	s10 =	sld [smem:$0x3FBA]  }
0x3d: {  	_ =	shalt  }
0x3e: {  	_ =	shalt  }
0x3f: {  	_ =	shalt  }
0x40: {  	_ =	shalt  }
0x41: {  	_ =	shalt  }
0x42: {  	_ =	shalt  }
0x43: {  	_ =	shalt  }
0x44: {  	_ =	shalt  }
0x45: {  	_ =	shalt  }
0x46: {  	_ =	shalt  }
0x47: {  	_ =	shalt  }
0x48: {  	_ =	shalt  }
0x49: {  	_ =	shalt  }
0x4a: {  	_ =	shalt  }
0x4b: {  	_ =	shalt  }
0x4c: {  	_ =	shalt  }
0x4d: {  	_ =	shalt  }
0x4e: {  	_ =	shalt  }
0x4f: {  	_ =	shalt  }
0x50: {  	_ =	shalt  }
0x51: {  	_ =	shalt  }
0x52: {  	_ =	shalt  }
0x53: {  	_ =	shalt  }
0x54: {  	_ =	shalt  }
0x55: {  	_ =	shalt  }
0x56: {  	_ =	shalt  }
0x57: {  	_ =	shalt  }
0x58: {  	_ =	shalt  }
0x59: {  	_ =	shalt  }
0x5a: {  	_ =	shalt  }
0x5b: {  	_ =	shalt  }
0x5c: {  	_ =	shalt  }
0x5d: {  	_ =	shalt  }
0x5e: {  	_ =	shalt  }
0x5f: {  	_ =	shalt  }
0x60: {  	_ =	shalt  }
0x61: {  	_ =	shalt  }
0x62: {  	_ =	shalt  }
0x63: {  	_ =	shalt  }
0x64: {  	_ =	shalt  }
0x65: {  	_ =	shalt  }
0x66: {  	_ =	shalt  }
0x67: {  	_ =	shalt  }
0x68: {  	_ =	shalt  }
0x69: {  	_ =	shalt  }
0x6a: {  	_ =	shalt  }
0x6b: {  	_ =	shalt  }
0x6c: {  	_ =	shalt  }
0x6d: {  	_ =	shalt  }
0x6e: {  	_ =	shalt  }
0x6f: {  	_ =	shalt  }
0x70: {  	_ =	shalt  }
0x71: {  	_ =	shalt  }
0x72: {  	_ =	shalt  }
0x73: {  	_ =	shalt  }
0x74: {  	_ =	shalt  }
0x75: {  	_ =	shalt  }
0x76: {  	_ =	shalt  }
0x77: {  	_ =	shalt  }
0x78: {  	_ =	shalt  }
0x79: {  	_ =	shalt  }
0x7a: {  	_ =	shalt  }
0x7b: {  	_ =	shalt  }
0x7c: {  	_ =	shalt  }
0x7d: {  	_ =	shalt  }
0x7e: {  	_ =	shalt  }
0x7f: {  	_ =	shalt  }
0x80: {  	_ =	shalt  }
0x81: {  	_ =	shalt  }
0x82: {  	_ =	shalt  }
0x83: {  	_ =	shalt  }
0x84: {  	_ =	shalt  }
0x85: {  	_ =	shalt  }
0x86: {  	_ =	shalt  }
0x87: {  	_ =	shalt  }
.Lfunc_end0:
.L_simem_size_0:
called_computation.4_lowered:
.L_overlay_start_0:
0x88: {  	s2 =	sld [smem:$0x3FD9]  }
0x89: {  	s3 =	sld [smem:$0x3FFE];
	_ =	sdelay $0x1  }
0x8a: {  	s1 =	srdreg.scid  }
0x8b: {  	s0 =	sand.u32 $0x1, s1  }
0x8c: {  	s15 =	sshll.u32 s0, $0xA;
	s2 =	sadd.s32 s3, s2  }
0x8d: {  	s2 =	sadd.s32 s2, s15  }
0x8e: {  	[smem:$0x3FC6] =	sst s2  }
0x8f: {  	_ = 	snop  }
0x90: {  	s2 =	sld [smem:$0x3FD0];
	_ =	sdelay $0x2  }
0x91: {  	s16 =	simm.s32 $0xB;
	s4 =	simm.s32 $0x10  }
0x92: {  	[smem:s4], [sflag:s16] =	dma.local [hbm:s2], $0x1  }
0x93: {  	_ =	swait.eq [sflag:s16], $0x1  }
0x94: {  	[sflag:s16] =	ssyncset.done $0x0  }
0x95: {  	[sflag:s16] =	ssyncadd.s32 $0xFFFFFFFF  }
0x96: {  	s17 =	sld [smem:$0x10];
	(tm) =	ssettm $0x1  }
0x97: {  	s18 =	sld [smem:$0x3FFB];
	_ =	sdelay $0x3  }
0x98: {  	_ =	strace s18  }
0x99: {  	s2 =	sld [smem:$0x3FFC];
	_ =	sdelay $0x3  }
0x9a: {  	_ =	strace s2  }
0x9b: {  	s2 =	sld [smem:$0x3FFD];
	_ =	sdelay $0x3  }
0x9c: {  	_ =	strace s2  }
0x9d: {  	_ =	strace $0x8FFFFFFF  }
0x9e: {  	s19 =	sld [smem:$0x3FDB];
	_ =	sdelay $0x1  }
0x9f: {  	s20 =	simm.s32 $_scs_section_size  }
0xa0: {  	s5 =	simm.s32 $_size__tile_overlayer_lowered;
	s6 =	simm.s32 $_tile_overlayer_lowered  }
0xa1: {  	s7 =	simm.s32 $0x1BFF;
	s21 =	sshll.u32 s6, $0x1;
	s4 =	sadd.s32 s20, s19  }
0xa2: {  	s22 =	simm.s32 $0x0;
	s5 =	sshll.u32 s5, $0x1;
	s6 =	sadd.s32 s21, s4  }
0xa3: {  	[timem:s22], [sflag:s7] =	dma.local [hbm:s6], s5  }
0xa4: {  	_ =	swait.ge [sflag:s7], s5  }
0xa5: {  	s5 =	ssub.s32 $0x0, s5;
	[sflag:s7] =	ssyncset.done $0x0  }
0xa6: {  	[sflag:s7] =	ssyncadd.s32 s5;
	_ =	sdelay $0x1  }
0xa7: {  	s23 =	simm.s32 $0x1B8B  }
0xa8: {  	_ =	swait.ge [sflag:s23], $0x1  }
0xa9: {  	[sflag:s23] =	ssyncset.done $0x0  }
0xaa: {  	[sflag:s23] =	ssyncadd.s32 $0xFFFFFFFF  }
0xab: {  	s5 =	sld [smem:$0x0]  }
0xac: {  	s6 =	sand.u32 $0xFFFFFFFE, s1  }
0xad: {  	p0 =	sne.s32 s1, s6  }
0xae: {  	s6 =	sshll.u32 @p0 s6, $0xE  }
0xaf: {  	s6 =	sadd.s32 @p0 $0x11B8D, s6;
	s7 =	sshll.u32 @p0 s5, $0x11  }
0xb0: {  	s6 =	sor.u32 @p0 s7, s6  }
0xb1: {  	[sflag:s6] =	ssyncadd.remote.s32 @p0 $0x1;
	_ =	sdelay $0x1  }
0xb2: {  	s6 =	simm.s32 @p0 $0x1B8D  }
0xb3: {  	_ =	swait.eq @p0 [sflag:s6], $0x1  }
0xb4: {  	[sflag:s6] =	ssyncadd.s32 @p0 $0xFFFFFFFF  }
0xb5: {  	s7 =	sshll.u32 @!p0 s1, $0xE  }
0xb6: {  	s7 =	sor.u32 @!p0 $0x4000, s7;
	s6 =	simm.s32 @!p0 $0x1B8D  }
0xb7: {  	s5 =	sshll.u32 @!p0 s5, $0x11;
	s7 =	sadd.s32 @!p0 $0x11B8D, s7;
	_ =	swait.eq @!p0 [sflag:s6], $0x1  }
0xb8: {  	s5 =	sor.u32 @!p0 s5, s7;
	[sflag:s6] =	ssyncadd.s32 @!p0 $0xFFFFFFFF  }
0xb9: {  	s25 =	simm.s32 $0x1B8E;
	s24 =	sld [smem:$0x3FFE];
	[sflag:s5] =	ssyncadd.remote.s32 @!p0 $0x1  }
0xba: {  	s26 =	simm.s32 $execute0_lowered;
	[smem:$0x3FD2] =	sst s25  }
0xbb: {  	s6 =	sshll.u32 s26, $0x1;
	_ =	strace $0x80000052;
	[dreg:$0x1] =	wrdreg $0xFFFFFFFF  }
0xbc: {  	s28 =	simm.s32 $_size_execute0_lowered;
	s4 =	sadd.s32 s4, s6;
	[dreg:$0x0] =	wrdreg $0x0  }
0xbd: {  	s6 =	sshll.u32 s28, $0x1;
	[dreg:$0x2] =	wrdreg s4  }
0xbe: {  	[dreg:$0x3] =	wrdreg s6  }
0xbf: {  	[dreg:$0x4] =	wrdreg $0xC0  }
0xc0: {  	_ =	task [dreg:s22], $0x5FFFF  }
0xc1: {  	[dreg:$0x1] =	wrdreg $0xFFFFFFFF  }
0xc2: {  	[dreg:$0x0] =	wrdreg $0x60  }
0xc3: {  	[dreg:$0x2] =	wrdreg s24  }
0xc4: {  	[dreg:$0x3] =	wrdreg s17  }
0xc5: {  	[dreg:$0x4] =	wrdreg $0xA  }
0xc6: {  	_ =	task.clear_ibuf [dreg:s22], $0x5FFFF;
	_ =	strace $0x90000052  }
0xc7: {  	s29 =	simm.s32 $0xA;
	_ =	strace $0x80000054  }
0xc8: {  	_ =	swait.ge [sflag:s29], $0x1  }
0xc9: {  	[sflag:s29] =	ssyncadd.s32 $0xFFFFFFFF  }
0xca: {  	_ =	strace $0x90000054  }
0xcb: {  	_ =	sfence  }
0xcc: {  	s30 =	sld [smem:$0x0];
	_ =	sdelay $0x2  }
0xcd: {  	s31 =	sshll.u32 s1, $0xD;
	s1 =	sshrl.u32 s1, $0x2  }
0xce: {  	s4 =	sand.u32 $0x4000, s31;
	s1 =	sadd.s32 s1, s30  }
0xcf: {  	s0 =	sor.u32 s4, s0;
	s1 =	sshll.u32 s1, $0x11  }
0xd0: {  	s0 =	sor.u32 s1, s0  }
0xd1: {  	s0 =	sadd.s32 $0x8F2B, s0  }
0xd2: {  	[sflag:s0] =	ssyncadd.remote.s32 $0x1  }
0xd3: {  	_ =	sfence.sel $0xFFFF  }
0xd4: {  	[dreg:$0x0] =	wrdreg $0xFFFFFFFF;
	(pc) =	sbr.abs _section_cstart, $3  }
0xd5: {  	[dreg:$0x1] =	wrdreg $0xFFFFFFFF  }
0xd6: {  	_ =	task.clear_ibuf [dreg:s22], $0x2FFFF;
	_ =	strace $0x9FFFFFFF  }
0xd7: {  	(tm) =	ssettm $0x7FFFFFFF  }
tec
execute0_lowered:
.L_overlay_start_1:
0x0: {  	(tag) =	ssettag $0x1  }
0x1: {  	s7 =	rddreg [dreg:$0x0]  }
0x2: {  	s2 =	rddreg [dreg:$0x1]  }
0x3: {  	s0 =	rddreg [dreg:$0x2]  }
0x4: {  	s1 =	srdreg.scid;
	_ =	strace $0x80000053;
	s4 =	simm.s32 $0x1  }
0x5: {  	s9 =	simm.s32 $0x3;
	s11 =	simm.s32 $0x0;
	s5 =	sshll.u32 s1, $0x4  }
.Ltmp0:
0x6: {  	s1 =	stileid.u32;
	s5 =	sand.u32 $0x10, s5;
	(pc) =	sbr.rel .LBB2_1-.Ltmp0, $4  }
0x7: {  	p0 =	por $0x0, $0x0;
	s3 =	sadd.s32 $0x2200, s7;
	s6 =	sor.u32 s1, s5  }
0x8: {  	[sflag:s4] =	ssyncpa.u1 $0x0;
	s5 =	simm.s32 $0x2;
	s6 =	sshll.u32 s6, $0x8  }
0x9: {  	s7 =	sadd.s32 $0x1E00, s7;
	[sflag:s5] =	ssyncpa.u1 $0x0;
	s8 =	sadd.s32 $0x100, s6  }
0xa: {  	vm0 =	vmmov $0xff;
	vm1 =	vcmask $0x3F20;
	[sflag:s9] =	ssyncpa.u1 $0x0;
	s10 =	smov.u32 s6;
	s9 =	simm.s32 $0x0  }
.LBB2_8:
0xb: {  	[hbm:s15] =	stream.linear.scatter [tilespmem:s12], [sflag:$0x3], $0x800, $0x38;
	[tilespmem:$0x10100] =	vst v63  }
.LBB2_9:
0xc: {  	p1 =	slt.u32 s9, $0x2;
	s11 =	sadd.s32 $0x80, s10  }
0xd: {  	s13 =	smov.u32 s6;
	s9 =	sadd.s32 $0x1, s9;
	p2 =	slt.s32 s11, s8  }
0xe: {  	s13 =	smov.u32 @p2 s11;
	p2 =	sne.s32 s9, $0x4  }
.Ltmp1:
0xf: {  	_ = 	snop;
	(pc) =	sbr.rel @!p2 .LBB2_10-.Ltmp1, $4  }
0x10: {  	s12 =	simm.s32 @!p1 $0x3  }
0x11: {  	_ =	swait.ge @!p1 [sflag:s12], $0x8000  }
0x12: {  	p0 =	por !p0, !p0;
	[sflag:s12] =	ssyncset.done @!p1 $0x0  }
0x13: {  	s11 =	smov.u32 s10;
	s10 =	smov.u32 s13;
	[sflag:s12] =	ssyncadd.s32 @!p1 $0xFFFF8000  }
.LBB2_1:
0x14: {  	p1 =	sgt.u32 s9, $0x1  }
0x15: {  	s12 =	sshll.u32 @!p1 s9, $0x7;
	s13 =	sshrl.u32 @!p1 s10, $0x3  }
0x16: {  	s14 =	sand.u32 @!p1 $0x7, s10;
	s12 =	sxor.u32 @!p1 $0x80, s12;
	s13 =	sadd.s32 @!p1 s7, s13  }
0x17: {  	[tilespmem:s12], [sflag:$0x2] =	stream.linear.gather @!p1 [hbm4b:s13+s14], $0x80, $0x38;
	[tilespmem:$0x10100] =	vst v63  }
0x18: {  	p1 =	seq.s32 s9, $0x0  }
0x19: {  	p2 =	seq.s32 @!p1 s9, $0x3  }
0x1a: {  	p1 =	por p1, p2  }
.Ltmp2:
0x1b: {  	_ = 	snop;
	(pc) =	sbr.rel @p1 .LBB2_9-.Ltmp2, $1  }
0x1c: {  	_ =	sdelay $0x3  }
0x1d: {  	s12 =	simm.s32 $0x1;
	_ =	swait.ge [sflag:s5], $0x80;
	s13 =	sand.u32 $0x1, s9  }
0x1e: {  	s15 =	simm.s32 $0x0;
	s12 =	simm.s32 @!p0 $0x0;
	[sflag:s5] =	ssyncset.done $0x0  }
0x1f: {  	s14 =	sshll.u32 s13, $0xF;
	s13 =	sshll.u32 s13, $0x7;
	s12 =	sshll.u32 s12, $0xF  }
0x20: {  	[sflag:s5] =	ssyncadd.s32 $0xFFFFFF80;
	s14 =	sor.u32 $0x100, s14;
	s12 =	sor.u32 $0x100, s12  }
.LBB2_3:
0x21: {  	s16 =	sshll.u32 s15, $0x4  }
0x22: {  	s16 =	sand.u32 $0x3FFFFFF0, s16  }
0x23: {  	s16 =	sadd.s32 s16, s13  }
0x24: {  	v0 =	vld.msk [tilespmem:s16+$0x0 ss:$0x1], $0xffff;
	_ =	sdelay $0x4  }
0x25: {  	vm2 =	vgt.s32 v0, $0x0  }
0x26: {  	v0 =	vnsel vm2, $0x0, v0  }
0x27: {  	v0 =	vmin.u32 v0, $0x1FFF  }
0x28: {  	s31 =	sshll.u32 s15, $0xC;
	v1 =	vshll.u32 v0, $0x5;
	v0 =	vshll.u32 v0, $0x4  }
0x29: {  	s16 =	sand.u32 $0x3FFFF000, s31;
	v1 =	vand.u32 $0x3FF00, v1;
	v0 =	vand.u32 $0x70, v0  }
0x2a: {  	p1 =	por $0x1, $0x1;
	s17 =	simm.s32 $0x0;
	s16 =	sadd.s32 s16, s14;
	v0 =	vor.u32 v0, v1  }
.LBB2_4:
0x2b: {  	_ =	sdelay $0x1  }
0x2c: {  	s17 =	sshra.s32 s17, $0x2;
	p2 =	por p1, p1  }
.Ltmp3:
0x2d: {  	s17 =	sadd.s32 s17, s16;
	(pc) =	sbr.rel @p2 .LBB2_4-.Ltmp3, $4  }
0x2e: {  	[tilespmem:s17], [sflag:$0x1] =	stream.indirect_vreg.gather [hbm:s3], $0x80, v0, vm0, $0x38;
	[tilespmem:$0x10100] =	vst v63  }
0x2f: {  	s17 =	sadd.s32 $0x800, s17  }
0x30: {  	[tilespmem:s17], [sflag:$0x1] =	stream.indirect_vreg.gather [hbm:s3], $0x80, v0, vm1, $0x38;
	[tilespmem:$0x10100] =	vst v63  }
0x31: {  	p1 =	por $0x0, $0x0;
	v0 =	vadd.s32 $0x80, v0;
	s17 =	simm.s32 $0x1000  }
0x32: {  	s15 =	sadd.s32 $0x1, s15  }
0x33: {  	p1 =	sne.s32 s15, $0x8  }
.Ltmp4:
0x34: {  	_ = 	snop;
	(pc) =	sbr.rel @p1 .LBB2_3-.Ltmp4, $1  }
0x35: {  	_ =	sdelay $0x3  }
0x36: {  	s13 =	sshll.u32 s11, $0x5  }
0x37: {  	s31 =	sshll.u32 s11, $0x4;
	s13 =	sand.u32 $0xFFFFFF00, s13  }
0x38: {  	_ =	swait.ge [sflag:s4], $0x8000;
	s11 =	sand.u32 $0x70, s31;
	s13 =	sadd.s32 s13, s2  }
0x39: {  	s14 =	sadd.s32 $0x800, s12;
	[sflag:s4] =	ssyncset.done $0x0;
	s11 =	sadd.s32 s11, s13  }
0x3a: {  	[sflag:s4] =	ssyncadd.s32 $0xFFFF8000;
	s13 =	simm.s32 $0x100;
	s15 =	sadd.s32 $0x0, s11  }
.LBB2_7:
0x3b: {  	[hbm:s15] =	stream.linear.scatter [tilespmem:s12], [sflag:$0x3], $0x800, $0x38;
	[tilespmem:$0x10100] =	vst v63  }
0x3c: {  	s15 =	smov.u32 s13;
	s12 =	smov.u32 s14;
	p1 =	sne.s32 s13, $0xF00  }
.Ltmp5:
0x3d: {  	s13 =	sadd.s32 $0x100, s13;
	(pc) =	sbr.rel @p1 .LBB2_7-.Ltmp5, $2  }
0x3e: {  	_ =	sdelay $0x2  }
0x3f: {  	s14 =	sadd.s32 $0x800, s14;
	s15 =	sadd.s32 s15, s11  }
.Ltmp6:
0x40: {  	_ = 	snop;
	(pc) =	sbr.rel .LBB2_8-.Ltmp6, $1  }
0x41: {  	_ =	sdelay $0x3  }
.LBB2_10:
0x42: {  	_ =	sfence.sel $0x180000  }
0x43: {  	s2 =	simm.s32 $0x2;
	[bflag:$0x0] =	sbarrier.arrive $0xFFFF  }
0x44: {  	s30 =	simm.s32 $0x3;
	[sflag:s2] =	ssyncpa.u1 $0x1  }
0x45: {  	s31 =	simm.s32 $0x1;
	[sflag:s30] =	ssyncpa.u1 $0x1  }
0x46: {  	[sflag:s31] =	ssyncpa.u1 $0x1  }
0x47: {  	p0 =	sne.s32 s1, $0x0;
	_ =	strace $0x90000053  }
0x48: {  	s0 =	sadd.s32 @!p0 $0x100000, s0;
	[bflag:$0x2] =	sbarrier.arrive $0xFFFF  }
0x49: {  	[sflag:s0] =	ssyncadd.tile.s32 @!p0 $0x1;
	_ =	shalt  }
.Lfunc_end2:
_tile_overlayer_lowered:
.L_overlay_start_2:
0x4a: {  	(tag) =	ssettag $0x2  }
0x4b: {  	s0 =	rddreg [dreg:$0x0];
	s2 =	stileid.u32  }
0x4c: {  	s1 =	rddreg [dreg:$0x1];
	p0 =	sne.s32 s2, $0x0  }
0x4d: {  	s3 =	rddreg [dreg:$0x2];
	[bflag:$0x3] =	sbarrier.arrive $0xFFFF;
	s2 =	simm.s32 @!p0 $0x1C01  }
0x4e: {  	[timem:s3], [sflag:s2] =	dma.local @!p0 [hbm:s0], s1  }
0x4f: {  	s0 =	simm.s32 @!p0 $0x1  }
0x50: {  	_ =	swait.ge @!p0 [sflag:s0], s1  }
0x51: {  	s1 =	ssub.s32 @!p0 $0x0, s1;
	[sflag:s0] =	ssyncset.done @!p0 $0x0  }
0x52: {  	[sflag:s0] =	ssyncadd.s32 @!p0 s1  }
0x53: {  	[bflag:$0x3] =	sbarrier.arrive $0xFFFF  }
0x54: {  	_ =	shalt  }

// kernel: gather_offload_async_start
scs
__scs_entry_jumppad:
0x0: {  	(pc) =	sbr.rel $0x88, $3  }
0x1: {  	(tag) =	ssettag $0x0;
	lr =	simm.s32 $0x1  }
0x2: {  	[smem:$0x3F9F] =	sst lr;
	_ =	strace $0xD0000000  }
0x3: {  	_ = 	snop  }
0x4: {  	_ = 	snop  }
0x5: {  	_ = 	snop  }
0x6: {  	_ = 	snop  }
0x7: {  	_ = 	snop  }
__scs_overlays_trampoline_lowered:
0x8: {  	[smem:$0x3FAE] =	sst s0  }
0x9: {  	[smem:$0x3FAF] =	sst s1  }
0xa: {  	[smem:$0x3FB0] =	sst s2  }
0xb: {  	[smem:$0x3FB1] =	sst s3  }
0xc: {  	[smem:$0x3FB2] =	sst s4  }
0xd: {  	[smem:$0x3FB3] =	sst s5  }
0xe: {  	[smem:$0x3FB4] =	sst s6  }
0xf: {  	[smem:$0x3FB5] =	sst s7  }
0x10: {  	[smem:$0x3FB6] =	sst s8  }
0x11: {  	[smem:$0x3FB7] =	sst s9;
	s0 =	simm.s32 @!p0 $0x0  }
0x12: {  	s1 =	sld [smem:$0x3F9D];
	s0 =	simm.s32 @p0 $0x1  }
0x13: {  	[smem:$0x3FB8] =	sst s0;
	s0 =	simm.s32 @!p1 $0x0  }
0x14: {  	s2 =	sld [smem:$0x3F9C];
	s0 =	simm.s32 @p1 $0x1  }
0x15: {  	[smem:$0x3FB9] =	sst s0;
	s0 =	simm.s32 @!p2 $0x0  }
0x16: {  	s3 =	sld [smem:$0x3FDB];
	s0 =	simm.s32 @p2 $0x1  }
0x17: {  	s4 =	simm.s32 $0x1BF5;
	[smem:$0x3FBB] =	sst s0  }
0x18: {  	s0 =	sld [smem:$0x3F9E];
	_ =	swait.ge [sflag:s4], $0x0  }
0x19: {  	s7 =	sld [smem:$0x3F9F]  }
0x1a: {  	s8 =	sadd.s32 $0xFFFFE003, lr  }
0x1b: {  	s9 =	sadd.s32 $0xFFFFFEF7, lr;
	s5 =	simm.s32 $0xFFFFFFFF;
	p2 =	slt.u32 s8, $0xFFFFF086  }
0x1c: {  	p1 =	slt.u32 s9, $0xF7A;
	s5 =	simm.s32 @!p2 $0x0  }
0x1d: {  	s5 =	simm.s32 @p1 $0x1;
	p0 =	seq.s32 s7, s2  }
0x1e: {  	s7 =	smul.u32 @!p0 $0xF7A, s2;
	p2 =	seq.s32 @!p0 s5, $0x0  }
0x1f: {  	s9 =	smul.u32 $0xF7A, s1;
	s8 =	simm.s32 @!p0 $0x1BF5;
	p2 =	por !p2, p0  }
0x20: {  	[sflag:s8] =	ssyncset.s32 @!p0 $0xFFFFF086;
	s6 =	sadd.s32 @!p0 s3, s7;
	s7 =	simm.s32 @!p0 $0x108  }
0x21: {  	s3 =	sadd.s32 s3, s9;
	s6 =	sadd.s32 @!p0 $0x88, s6;
	s7 =	simm.s32 @p2 $0x1082  }
0x22: {  	[simem:s7], [sflag:s8] =	dma.local @!p0 [hbm:s6], $0xF7A  }
0x23: {  	s9 =	sor.u32 $0xD0000000, s2;
	s6 =	simm.s32 $0x108;
	_ =	swait.ge @!p0 [sflag:s8], $0x0  }
0x24: {  	s3 =	sadd.s32 $0x88, s3;
	s6 =	simm.s32 @!p1 $0x1082;
	[sflag:s4] =	ssyncset.s32 $0xFFFFF086  }
0x25: {  	[simem:s6], [sflag:s4] =	dma.local [hbm:s3], $0xF7A  }
0x26: {  	[smem:$0x3F9F] =	sst s1;
	(tag) =	ssettag s2;
	_ =	strace s9  }
0x27: {  	s1 =	sld [smem:$0x3FAF]  }
0x28: {  	s2 =	sld [smem:$0x3FB0]  }
0x29: {  	s4 =	sld [smem:$0x3FB2]  }
0x2a: {  	p0 =	seq.s32 s5, $0x0;
	s5 =	sld [smem:$0x3FB3]  }
0x2b: {  	s6 =	sld [smem:$0x3FB4]  }
0x2c: {  	s7 =	sld [smem:$0x3FB5]  }
0x2d: {  	s3 =	simm.s32 $0x108;
	s8 =	sld [smem:$0x3FB6]  }
0x2e: {  	s3 =	simm.s32 @!p0 $0x1082;
	s9 =	sld [smem:$0x3FB7]  }
0x2f: {  	lr =	sadd.s32 s0, s3;
	s0 =	sld [smem:$0x3FAE]  }
0x30: {  	s3 =	sld [smem:$0x3FB1]  }
0x31: {  	[smem:$0x3FBA] =	sst s10  }
0x32: {  	s10 =	sld [smem:$0x3FB8];
	_ =	sdelay $0x3  }
0x33: {  	p0 =	seq.s32 s10, $0x1;
	s10 =	sld [smem:$0x3FBA];
	_ =	sdelay $0x3  }
0x34: {  	[smem:$0x3FBA] =	sst s10  }
0x35: {  	s10 =	sld [smem:$0x3FB9];
	_ =	sdelay $0x3  }
0x36: {  	p1 =	seq.s32 s10, $0x1;
	s10 =	sld [smem:$0x3FBA];
	_ =	sdelay $0x3  }
0x37: {  	[smem:$0x3FBA] =	sst s10  }
0x38: {  	s10 =	sld [smem:$0x3FBB]  }
0x39: {  	_ = 	snop;
	(pc) =	sbr.ind lr, $3  }
0x3a: {  	_ = 	snop  }
0x3b: {  	_ = 	snop  }
0x3c: {  	p2 =	seq.s32 s10, $0x1;
	s10 =	sld [smem:$0x3FBA]  }
0x3d: {  	_ =	shalt  }
0x3e: {  	_ =	shalt  }
0x3f: {  	_ =	shalt  }
0x40: {  	_ =	shalt  }
0x41: {  	_ =	shalt  }
0x42: {  	_ =	shalt  }
0x43: {  	_ =	shalt  }
0x44: {  	_ =	shalt  }
0x45: {  	_ =	shalt  }
0x46: {  	_ =	shalt  }
0x47: {  	_ =	shalt  }
0x48: {  	_ =	shalt  }
0x49: {  	_ =	shalt  }
0x4a: {  	_ =	shalt  }
0x4b: {  	_ =	shalt  }
0x4c: {  	_ =	shalt  }
0x4d: {  	_ =	shalt  }
0x4e: {  	_ =	shalt  }
0x4f: {  	_ =	shalt  }
0x50: {  	_ =	shalt  }
0x51: {  	_ =	shalt  }
0x52: {  	_ =	shalt  }
0x53: {  	_ =	shalt  }
0x54: {  	_ =	shalt  }
0x55: {  	_ =	shalt  }
0x56: {  	_ =	shalt  }
0x57: {  	_ =	shalt  }
0x58: {  	_ =	shalt  }
0x59: {  	_ =	shalt  }
0x5a: {  	_ =	shalt  }
0x5b: {  	_ =	shalt  }
0x5c: {  	_ =	shalt  }
0x5d: {  	_ =	shalt  }
0x5e: {  	_ =	shalt  }
0x5f: {  	_ =	shalt  }
0x60: {  	_ =	shalt  }
0x61: {  	_ =	shalt  }
0x62: {  	_ =	shalt  }
0x63: {  	_ =	shalt  }
0x64: {  	_ =	shalt  }
0x65: {  	_ =	shalt  }
0x66: {  	_ =	shalt  }
0x67: {  	_ =	shalt  }
0x68: {  	_ =	shalt  }
0x69: {  	_ =	shalt  }
0x6a: {  	_ =	shalt  }
0x6b: {  	_ =	shalt  }
0x6c: {  	_ =	shalt  }
0x6d: {  	_ =	shalt  }
0x6e: {  	_ =	shalt  }
0x6f: {  	_ =	shalt  }
0x70: {  	_ =	shalt  }
0x71: {  	_ =	shalt  }
0x72: {  	_ =	shalt  }
0x73: {  	_ =	shalt  }
0x74: {  	_ =	shalt  }
0x75: {  	_ =	shalt  }
0x76: {  	_ =	shalt  }
0x77: {  	_ =	shalt  }
0x78: {  	_ =	shalt  }
0x79: {  	_ =	shalt  }
0x7a: {  	_ =	shalt  }
0x7b: {  	_ =	shalt  }
0x7c: {  	_ =	shalt  }
0x7d: {  	_ =	shalt  }
0x7e: {  	_ =	shalt  }
0x7f: {  	_ =	shalt  }
0x80: {  	_ =	shalt  }
0x81: {  	_ =	shalt  }
0x82: {  	_ =	shalt  }
0x83: {  	_ =	shalt  }
0x84: {  	_ =	shalt  }
0x85: {  	_ =	shalt  }
0x86: {  	_ =	shalt  }
0x87: {  	_ =	shalt  }
.Lfunc_end0:
.L_simem_size_0:
called_computation_lowered:
.L_overlay_start_0:
0x88: {  	s2 =	sld [smem:$0x3FD9]  }
0x89: {  	s3 =	sld [smem:$0x3FFE];
	_ =	sdelay $0x1  }
0x8a: {  	s1 =	srdreg.scid  }
0x8b: {  	s0 =	sand.u32 $0x1, s1  }
0x8c: {  	s14 =	sshll.u32 s0, $0xA;
	s2 =	sadd.s32 s3, s2  }
0x8d: {  	s2 =	sadd.s32 s2, s14  }
0x8e: {  	[smem:$0x3FC6] =	sst s2  }
0x8f: {  	_ = 	snop  }
0x90: {  	s2 =	sld [smem:$0x3FD0];
	_ =	sdelay $0x2  }
0x91: {  	s15 =	simm.s32 $0xB;
	s4 =	simm.s32 $0x10  }
0x92: {  	[smem:s4], [sflag:s15] =	dma.local [hbm:s2], $0x1  }
0x93: {  	_ =	swait.eq [sflag:s15], $0x1  }
0x94: {  	[sflag:s15] =	ssyncset.done $0x0  }
0x95: {  	[sflag:s15] =	ssyncadd.s32 $0xFFFFFFFF  }
0x96: {  	s16 =	sld [smem:$0x13];
	(tm) =	ssettm $0x1  }
0x97: {  	s17 =	sld [smem:$0x3FFB];
	_ =	sdelay $0x3  }
0x98: {  	_ =	strace s17  }
0x99: {  	s3 =	sld [smem:$0x3FFC];
	_ =	sdelay $0x3  }
0x9a: {  	_ =	strace s3  }
0x9b: {  	s3 =	sld [smem:$0x3FFD];
	_ =	sdelay $0x3  }
0x9c: {  	_ =	strace s3  }
0x9d: {  	_ =	strace $0x8FFFFFFF  }
0x9e: {  	s18 =	sld [smem:$0x3FDB];
	_ =	sdelay $0x1  }
0x9f: {  	s19 =	simm.s32 $_scs_section_size  }
0xa0: {  	s5 =	simm.s32 $_size__tile_overlayer_lowered;
	s6 =	simm.s32 $_tile_overlayer_lowered  }
0xa1: {  	s22 =	simm.s32 $0x1BFF;
	s21 =	sshll.u32 s6, $0x1;
	s3 =	sadd.s32 s19, s18  }
0xa2: {  	s7 =	simm.s32 $0x0;
	s20 =	sshll.u32 s5, $0x1;
	s5 =	sadd.s32 s21, s3  }
0xa3: {  	[timem:s7], [sflag:s22] =	dma.local [hbm:s5], s20  }
0xa4: {  	_ =	swait.ge [sflag:s22], s20  }
0xa5: {  	s4 =	ssub.s32 $0x0, s20;
	[sflag:s22] =	ssyncset.done $0x0  }
0xa6: {  	[sflag:s22] =	ssyncadd.s32 s4;
	_ =	sdelay $0x1  }
0xa7: {  	s23 =	simm.s32 $0x1B8B  }
0xa8: {  	_ =	swait.ge [sflag:s23], $0x1  }
0xa9: {  	[sflag:s23] =	ssyncset.done $0x0  }
0xaa: {  	s25 =	simm.s32 $0x1B8E;
	s24 =	sld [smem:$0x3FFE];
	[sflag:s23] =	ssyncadd.s32 $0xFFFFFFFF  }
0xab: {  	s26 =	simm.s32 $execute0_lowered;
	[smem:$0x3FD2] =	sst s25  }
0xac: {  	s5 =	sshll.u32 s26, $0x1;
	_ =	strace $0x80000046;
	[dreg:$0x1] =	wrdreg $0xFFFFFFFF  }
0xad: {  	s28 =	simm.s32 $_size_execute0_lowered;
	s3 =	sadd.s32 s3, s5;
	[dreg:$0x0] =	wrdreg $0x0  }
0xae: {  	s5 =	sshll.u32 s28, $0x1;
	[dreg:$0x2] =	wrdreg s3  }
0xaf: {  	[dreg:$0x3] =	wrdreg s5  }
0xb0: {  	[dreg:$0x4] =	wrdreg $0xC0  }
0xb1: {  	_ =	task [dreg:s7], $0x5FFFF  }
0xb2: {  	[dreg:$0x1] =	wrdreg $0xFFFFFFFF  }
0xb3: {  	[dreg:$0x0] =	wrdreg $0x60  }
0xb4: {  	[dreg:$0x2] =	wrdreg s24  }
0xb5: {  	[dreg:$0x3] =	wrdreg s16  }
0xb6: {  	[dreg:$0x4] =	wrdreg $0x9  }
0xb7: {  	_ =	task.clear_ibuf [dreg:s7], $0x5FFFF;
	_ =	strace $0x90000046  }
0xb8: {  	s29 =	simm.s32 $0x9;
	_ =	strace $0x80000048  }
0xb9: {  	_ =	swait.ge [sflag:s29], $0x1  }
0xba: {  	[sflag:s29] =	ssyncadd.s32 $0xFFFFFFFF  }
0xbb: {  	_ =	strace $0x90000048  }
0xbc: {  	_ =	sfence  }
0xbd: {  	s30 =	sld [smem:$0x0];
	_ =	sdelay $0x2  }
0xbe: {  	s31 =	sshll.u32 s1, $0xD;
	s1 =	sshrl.u32 s1, $0x2  }
0xbf: {  	s3 =	sand.u32 $0x4000, s31;
	s1 =	sadd.s32 s1, s30  }
0xc0: {  	s0 =	sor.u32 s3, s0;
	s1 =	sshll.u32 s1, $0x11  }
0xc1: {  	s0 =	sor.u32 s1, s0  }
0xc2: {  	s0 =	sadd.s32 $0x8F2B, s0  }
0xc3: {  	[sflag:s0] =	ssyncadd.remote.s32 $0x1  }
0xc4: {  	_ =	sfence.sel $0xFFFF  }
0xc5: {  	[dreg:$0x0] =	wrdreg $0xFFFFFFFF;
	(pc) =	sbr.abs _section_cstart, $3  }
0xc6: {  	[dreg:$0x1] =	wrdreg $0xFFFFFFFF  }
0xc7: {  	_ =	task.clear_ibuf [dreg:s7], $0x2FFFF;
	_ =	strace $0x9FFFFFFF  }
0xc8: {  	(tm) =	ssettm $0x7FFFFFFF  }
0xc9: {  	_ =	shalt  }
tec
execute0_lowered:
.L_overlay_start_1:
0x0: {  	(tag) =	ssettag $0x1  }
0x1: {  	s1 =	srdreg.scid;
	s5 =	rddreg [dreg:$0x0]  }
0x2: {  	s0 =	stileid.u32;
	s2 =	rddreg [dreg:$0x1];
	s6 =	simm.s32 $0x1  }
0x3: {  	s9 =	simm.s32 $0x1;
	s10 =	simm.s32 $0x3;
	s1 =	sshll.u32 s1, $0x7  }
0x4: {  	s13 =	simm.s32 $0x0;
	s3 =	sshll.u32 s0, $0x8;
	s4 =	sand.u32 $0x80, s1  }
0x5: {  	s12 =	simm.s32 $0x0;
	s1 =	rddreg [dreg:$0x2];
	s3 =	sor.u32 s3, s4  }
0x6: {  	_ =	strace $0x80000047;
	s4 =	sadd.s32 $0x1A00, s5;
	s8 =	ssub.s32 $0x2000, s3  }
.Ltmp0:
0x7: {  	s5 =	sadd.s32 $0x1E00, s5;
	s7 =	sand.u32 $0xF80, s8;
	(pc) =	sbr.rel .LBB2_1-.Ltmp0, $4  }
0x8: {  	[sflag:s6] =	ssyncpa.u1 $0x0;
	s11 =	smov.u32 s3;
	p0 =	sne.s32 s7, $0x0  }
0x9: {  	s8 =	sshrl.u32 s8, $0xC;
	s7 =	simm.s32 $0x2;
	s9 =	simm.s32 @!p0 $0x0  }
0xa: {  	[sflag:s7] =	ssyncpa.u1 $0x0;
	p0 =	por $0x0, $0x0;
	s8 =	sadd.s32 s9, s8  }
0xb: {  	vm0 =	vmmov $0xffff;
	[sflag:s10] =	ssyncpa.u1 $0x0;
	s10 =	simm.s32 $0x0;
	s9 =	sadd.s32 $0x1, s8  }
.LBB2_4:
0xc: {  	v2 =	vnsel vm1, $0x0, v2  }
0xd: {  	vm1 =	vgt.s32 v0, $0x0;
	v2 =	vmin.u32 v2, $0x1FFF  }
0xe: {  	v0 =	vnsel vm1, $0x0, v0  }
0xf: {  	v0 =	vmin.u32 v0, $0x1FFF  }
0x10: {  	[tilespmem:s15], [sflag:$0x1] =	stream.indirect_vreg.gather [hbm4b:s4+s10], $0x1, v1, vm0, $0x4038;
	[tilespmem:$0x200] =	vst v63  }
0x11: {  	(ifvalue) =	ssetifvalue $0x7FFFFFFF  }
0x12: {  	[tilespmem:s16], [sflag:$0x1] =	stream.indirect_vreg.gather [hbm4b:s4+s10], $0x1, v2, vm0, $0x4038;
	[tilespmem:$0x200] =	vst v63  }
0x13: {  	s29 =	sadd.s32 $0x10, s16;
	(ifvalue) =	ssetifvalue $0x7FFFFFFF  }
0x14: {  	[tilespmem:s29], [sflag:$0x1] =	stream.indirect_vreg.gather [hbm4b:s4+s10], $0x1, v0, vm0, $0x4038;
	[tilespmem:$0x200] =	vst v63  }
0x15: {  	_ =	swait.ge [sflag:s6], $0x80  }
0x16: {  	s30 =	sshrl.u32 s13, $0x3;
	[sflag:s6] =	ssyncset.done $0x0  }
0x17: {  	s31 =	sand.u32 $0x7, s13;
	s15 =	sadd.s32 s5, s30;
	[sflag:s6] =	ssyncadd.s32 $0xFFFFFF80  }
0x18: {  	[hbm4b:s15+s31] =	stream.linear.scatter [tilespmem:s14], [sflag:$0x3], $0x80, $0x38;
	[tilespmem:$0x200] =	vst v63  }
.LBB2_5:
0x19: {  	s15 =	sadd.s32 $0x1000, s11  }
0x1a: {  	p2 =	sgt.s32 s15, $0x1FFF  }
0x1b: {  	s15 =	smov.u32 @p2 s3;
	p2 =	sne.s32 s12, s9  }
.Ltmp1:
0x1c: {  	p1 =	slt.u32 s12, $0x2;
	(pc) =	sbr.rel @!p2 .LBB2_6-.Ltmp1, $4  }
0x1d: {  	s14 =	simm.s32 @!p1 $0x3  }
0x1e: {  	s16 =	sadd.s32 $0x1, s12;
	_ =	swait.ge @!p1 [sflag:s14], $0x80  }
0x1f: {  	s13 =	smov.u32 s11;
	p0 =	por !p0, !p0;
	[sflag:s14] =	ssyncset.done @!p1 $0x0  }
0x20: {  	s12 =	smov.u32 s16;
	s11 =	smov.u32 s15;
	[sflag:s14] =	ssyncadd.s32 @!p1 $0xFFFFFF80  }
.LBB2_1:
0x21: {  	p1 =	sge.u32 s12, s8  }
0x22: {  	s14 =	sxor.u32 @!p1 $0xFFFFFFFF, s12  }
0x23: {  	s31 =	sadd.s32 $0xFFFFFFFF, s12;
	s15 =	sshrl.u32 @!p1 s11, $0x3;
	s14 =	sshll.u32 @!p1 s14, $0x7  }
0x24: {  	s16 =	sand.u32 @!p1 $0x7, s11;
	s15 =	sadd.s32 @!p1 s2, s15;
	s14 =	sand.u32 @!p1 $0x80, s14  }
0x25: {  	[tilespmem:s14], [sflag:$0x2] =	stream.linear.gather @!p1 [hbm4b:s15+s16], $0x80, $0x38;
	[tilespmem:$0x200] =	vst v63  }
0x26: {  	p1 =	sge.u32 s31, s8  }
.Ltmp2:
0x27: {  	_ = 	snop;
	(pc) =	sbr.rel @p1 .LBB2_5-.Ltmp2, $1  }
0x28: {  	_ =	sdelay $0x3  }
0x29: {  	s14 =	simm.s32 $0x1  }
0x2a: {  	_ =	swait.ge [sflag:s7], $0x80;
	s14 =	simm.s32 @!p0 $0x0  }
0x2b: {  	[sflag:s7] =	ssyncset.done $0x0;
	s14 =	sshll.u32 s14, $0x7  }
0x2c: {  	[sflag:s7] =	ssyncadd.s32 $0xFFFFFF80;
	(ifvalue) =	ssetifvalue $0x7FFFFFFF;
	v0 =	vld.msk [tilespmem:s14+$0x0 ss:$0x1], $0xffff;
	_ =	sdelay $0x4  }
0x2d: {  	s15 =	sadd.s32 $0x10, s14;
	vm1 =	vgt.s32 v0, $0x0  }
0x2e: {  	v2 =	vld.msk [tilespmem:s15+$0x0 ss:$0x1], $0xffff;
	v1 =	vnsel vm1, $0x0, v0  }
0x2f: {  	v1 =	vmin.u32 v1, $0x1FFF;
	_ =	sdelay $0x1  }
0x30: {  	s16 =	sshll.u32 s12, $0x7;
	s18 =	simm.s32 $0x20  }
0x31: {  	s16 =	sand.u32 $0x80, s16;
	s17 =	sadd.s32 $0x10, s15;
	s15 =	sor.u32 $0x100, s14  }
0x32: {  	s14 =	sor.u32 $0x100, s16;
	s16 =	sadd.s32 $0x10, s15;
	v0 =	vld.msk [tilespmem:s17+$0x0 ss:$0x1], $0xffff;
	vm1 =	vgt.s32 v2, $0x0;
	(ifvalue) =	ssetifvalue $0x7FFFFFFF  }
.LBB2_3:
0x33: {  	[tilespmem:s15], [sflag:$0x1] =	stream.indirect_vreg.gather [hbm4b:s4+s10], $0x1, v1, vm0, $0x4038;
	[tilespmem:$0x200] =	vst v63  }
0x34: {  	s18 =	sadd.s32 $0x10, s18  }
0x35: {  	v2 =	vnsel vm1, $0x0, v2;
	p1 =	slt.u32 s18, $0x70  }
.Ltmp3:
0x36: {  	s15 =	smov.u32 s16;
	v1 =	vmin.u32 v2, $0x1FFF;
	(pc) =	sbr.rel @p1 .LBB2_3-.Ltmp3, $3  }
0x37: {  	_ =	sdelay $0x1  }
0x38: {  	s17 =	sadd.s32 $0x10, s17  }
0x39: {  	vm1 =	vgt.s32 v0, $0x0;
	s16 =	sadd.s32 $0x10, s16;
	v2 =	vmov v0;
	(ifvalue) =	ssetifvalue $0x7FFFFFFF;
	v0 =	vld.msk [tilespmem:s17+$0x0 ss:$0x1], $0xffff  }
.Ltmp4:
0x3a: {  	_ = 	snop;
	(pc) =	sbr.rel .LBB2_4-.Ltmp4, $1  }
0x3b: {  	_ =	sdelay $0x3  }
.LBB2_6:
0x3c: {  	_ =	sfence.sel $0x180000  }
0x3d: {  	s2 =	simm.s32 $0x2;
	[bflag:$0x0] =	sbarrier.arrive $0xFFFF  }
0x3e: {  	s30 =	simm.s32 $0x3;
	[sflag:s2] =	ssyncpa.u1 $0x1  }
0x3f: {  	s31 =	simm.s32 $0x1;
	[sflag:s30] =	ssyncpa.u1 $0x1  }
0x40: {  	[sflag:s31] =	ssyncpa.u1 $0x1  }
0x41: {  	p0 =	sne.s32 s0, $0x0;
	_ =	strace $0x90000047  }
0x42: {  	s0 =	sadd.s32 @!p0 $0x100000, s1;
	[bflag:$0x2] =	sbarrier.arrive $0xFFFF  }
0x43: {  	[sflag:s0] =	ssyncadd.tile.s32 @!p0 $0x1;
	_ =	shalt  }
.Lfunc_end2:
_tile_overlayer_lowered:
.L_overlay_start_2:
0x44: {  	(tag) =	ssettag $0x2  }
0x45: {  	s0 =	rddreg [dreg:$0x0];
	s2 =	stileid.u32  }
0x46: {  	s1 =	rddreg [dreg:$0x1];
	p0 =	sne.s32 s2, $0x0  }
0x47: {  	s3 =	rddreg [dreg:$0x2];
	[bflag:$0x3] =	sbarrier.arrive $0xFFFF;
	s2 =	simm.s32 @!p0 $0x1C01  }
0x48: {  	[timem:s3], [sflag:s2] =	dma.local @!p0 [hbm:s0], s1  }
0x49: {  	s0 =	simm.s32 @!p0 $0x1  }
0x4a: {  	_ =	swait.ge @!p0 [sflag:s0], s1  }
0x4b: {  	s1 =	ssub.s32 @!p0 $0x0, s1;
	[sflag:s0] =	ssyncset.done @!p0 $0x0  }
0x4c: {  	[sflag:s0] =	ssyncadd.s32 @!p0 s1  }
0x4d: {  	[bflag:$0x3] =	sbarrier.arrive $0xFFFF  }
0x4e: {  	_ =	shalt  }

</sc_bundles>
